<compile_context>
chip_gen: v7x
topology: tpu7x:2x2x1
jax: 0.10.2.dev20260603
libtpu: 0.0.44.dev20260713+nightly
codegen_flags: <defaults>
</compile_context>

<pallas_src>
import functools

import jax
import jax.numpy as jnp
from jax import lax
from jax.experimental import pallas as pl
from jax.experimental.pallas import tpu as pltpu
from jax.experimental.pallas import tpu_sc as plsc

N = 10000
E = 320000
D = 128

NC = 2
NS = 16
NW = NC * NS
CH = 100
EW = E // NW
KW = EW // CH
RS = N // NS

_mesh = plsc.VectorSubcoreMesh(
    core_axis_name="c", subcore_axis_name="s", num_cores=NC, num_subcores=NS
)


_SC_PARAMS = pltpu.CompilerParams(
    use_tc_tiling_on_sc=False, needs_layout_passes=False
)


@functools.partial(
    pl.kernel,
    out_type=jax.ShapeDtypeStruct((NC, N, D), jnp.float32),
    mesh=_mesh,
    scratch_types=[
        pltpu.VMEM((KW, CH), jnp.int32),
        pltpu.VMEM((KW, CH), jnp.int32),
        pltpu.VMEM((CH, D), jnp.float32),
        pltpu.VMEM((CH, D), jnp.float32),
        pltpu.VMEM_SHARED((N, D), jnp.float32),
        pltpu.SemaphoreType.DMA,
        pltpu.SemaphoreType.DMA,
        pltpu.SemaphoreType.DMA,
    ],
    compiler_params=_SC_PARAMS,
)
def _sc_agg(table, srcs, dsts, out_acc,
            src_v, dst_v, buf_a, buf_b, acc_sh, sem_a, sem_b, sem_z):
    c = lax.axis_index("c")
    s = lax.axis_index("s")
    wid = s * NC + c
    r0 = s * RS

    idx_a = pltpu.async_copy(srcs.at[pl.ds(wid * KW, KW)], src_v, sem_a)
    idx_b = pltpu.async_copy(dsts.at[pl.ds(wid * KW, KW)], dst_v, sem_b)
    z16 = jnp.zeros((16,), jnp.float32)

    def zrow(i, carry):
        buf_a[i // (D // 16), pl.ds((i % (D // 16)) * 16, 16)] = z16
        return carry

    lax.fori_loop(0, CH * (D // 16), zrow, 0)
    zcopies = [
        pltpu.async_copy(buf_a, acc_sh.at[pl.ds(r0 + t * CH, CH)], sem_z)
        for t in range(RS // CH)
    ]
    if RS % CH:
        zcopies.append(
            pltpu.async_copy(
                buf_a.at[pl.ds(0, RS % CH)],
                acc_sh.at[pl.ds(r0 + (RS // CH) * CH, RS % CH)],
                sem_z,
            )
        )
    for zc in zcopies:
        zc.wait()
    idx_a.wait()
    idx_b.wait()
    plsc.subcore_barrier()

    def gather(k, buf, sem):
        pltpu.async_copy(table.at[src_v.at[k]], buf, sem)

    def finish(k, buf, sem):
        pltpu.make_async_copy(table.at[src_v.at[k]], buf, sem).wait()
        pltpu.sync_copy(buf, acc_sh.at[dst_v.at[k]], add=True)

    gather(0, buf_a, sem_a)

    def body(g, carry):
        ka = 2 * g
        gather(ka + 1, buf_b, sem_b)
        finish(ka, buf_a, sem_a)

        @pl.when(ka + 2 < KW)
        def _():
            gather(ka + 2, buf_a, sem_a)

        finish(ka + 1, buf_b, sem_b)
        return carry

    lax.fori_loop(0, KW // 2, body, 0)
    plsc.subcore_barrier()

    pltpu.sync_copy(acc_sh.at[pl.ds(r0, RS)], out_acc.at[c].at[pl.ds(r0, RS)])


@functools.partial(
    pl.kernel,
    out_type=jax.ShapeDtypeStruct((N // 1000, NW, 1000), jnp.float32),
    mesh=_mesh,
    scratch_types=[
        pltpu.VMEM((EW,), jnp.int32),
        pltpu.VMEM((N,), jnp.float32),
        pltpu.SemaphoreType.DMA,
    ],
    compiler_params=_SC_PARAMS,
)
def _sc_deg(dsts_flat, out_deg, dst_v, deg_v, sem):
    c = lax.axis_index("c")
    s = lax.axis_index("s")
    wid = s * NC + c
    pltpu.sync_copy(dsts_flat.at[wid], dst_v)

    def zero_deg(i, carry):
        deg_v[pl.ds(i * 16, 16)] = jnp.zeros((16,), jnp.float32)
        return carry

    lax.fori_loop(0, N // 16, zero_deg, 0)
    ones16 = jnp.ones((16,), jnp.float32)

    def upd(j, carry):
        plsc.addupdate_scatter(deg_v, [dst_v[pl.ds(j * 16, 16)]], ones16)
        return carry

    lax.fori_loop(0, EW // 16, upd, 0)
    outs = [
        pltpu.async_copy(
            deg_v.at[pl.ds(blk * 1000, 1000)], out_deg.at[blk, wid], sem
        )
        for blk in range(N // 1000)
    ]
    for o in outs:
        o.wait()


BN = 1000


def _fused_out(h, hn_scaled, ws_ref, wn_ref, b_ref, relu):
    o = (
        jnp.dot(h, ws_ref[...], preferred_element_type=jnp.float32)
        + jnp.dot(hn_scaled, wn_ref[...], preferred_element_type=jnp.float32)
        + b_ref[...]
    )
    if relu:
        o = jnp.maximum(o, 0.0)
    return o


def _combine1_body(h_ref, acc_ref, dp_ref, ws_ref, wn_ref, b_ref,
                   o_ref, inv_ref):
    deg = jnp.sum(dp_ref[0], axis=0)[:, None]
    inv = 1.0 / jnp.maximum(deg, 1.0)
    inv_ref[...] = inv
    hn = (acc_ref[0] + acc_ref[1]) * inv
    o_ref[...] = _fused_out(h_ref[...], hn, ws_ref, wn_ref, b_ref, True)


def _combine2_body(h_ref, acc_ref, inv_ref, ws_ref, wn_ref, b_ref, o_ref):
    hn = (acc_ref[0] + acc_ref[1]) * inv_ref[...]
    o_ref[...] = _fused_out(h_ref[...], hn, ws_ref, wn_ref, b_ref, False)


_SPEC_H = pl.BlockSpec((BN, D), lambda i: (i, 0))
_SPEC_ACC = pl.BlockSpec((2, BN, D), lambda i: (0, i, 0))
_SPEC_COL = pl.BlockSpec((BN, 1), lambda i: (i, 0))
_SPEC_W = pl.BlockSpec((D, D), lambda i: (0, 0))
_SPEC_B = pl.BlockSpec((1, D), lambda i: (0, 0))


def _combine1(h, acc, deg_parts, ws, wn, b):
    return pl.pallas_call(
        _combine1_body,
        grid=(N // BN,),
        in_specs=[
            _SPEC_H,
            _SPEC_ACC,
            pl.BlockSpec((1, NW, BN), lambda i: (i, 0, 0)),
            _SPEC_W,
            _SPEC_W,
            _SPEC_B,
        ],
        out_specs=(_SPEC_H, _SPEC_COL),
        out_shape=(
            jax.ShapeDtypeStruct((N, D), jnp.float32),
            jax.ShapeDtypeStruct((N, 1), jnp.float32),
        ),
    )(h, acc, deg_parts, ws, wn, b)


def _combine2(h, acc, inv, ws, wn, b):
    return pl.pallas_call(
        _combine2_body,
        grid=(N // BN,),
        in_specs=[_SPEC_H, _SPEC_ACC, _SPEC_COL, _SPEC_W, _SPEC_W, _SPEC_B],
        out_specs=_SPEC_H,
        out_shape=jax.ShapeDtypeStruct((N, D), jnp.float32),
    )(h, acc, inv, ws, wn, b)


def kernel(x, edge_index, W_self1, W_neigh1, b1, W_self2, W_neigh2, b2):
    src = edge_index[0].reshape(E // CH, CH)
    dst = edge_index[1].reshape(E // CH, CH)

    deg_parts = _sc_deg(edge_index[1].reshape(NW, EW))
    acc1 = _sc_agg(x, src, dst)
    h1, inv = _combine1(x, acc1, deg_parts, W_self1, W_neigh1, b1[None, :])
    acc2 = _sc_agg(h1, src, dst)
    out = _combine2(h1, acc2, inv, W_self2, W_neigh2, b2[None, :])
    return out

# --- scband reference (transcript-rebuilt; emitter-appended) ---
"""Pipeline reference for scband-graph-sage-90787018703579 (READ-ONLY COPY).

The authoritative reference and input builder live on the scoring server;
editing this copy changes nothing except your own understanding.
"""

import jax, jax.numpy as jnp
import numpy as np

N = 10000
E = 320000
D = 128


def setup_inputs(seed: int = 0) -> dict:
    key = jax.random.key(seed)
    ks = jax.random.split(key, 8)
    x = jax.random.normal(ks[0], (N, D), dtype=jnp.float32)
    edge_index = jax.random.randint(ks[1], (2, E), 0, N, dtype=jnp.int32)
    scale = 1.0 / np.sqrt(D)
    W_self1 = jax.random.normal(ks[2], (D, D), dtype=jnp.float32) * scale
    W_neigh1 = jax.random.normal(ks[3], (D, D), dtype=jnp.float32) * scale
    b1 = jnp.zeros((D,), dtype=jnp.float32)
    W_self2 = jax.random.normal(ks[4], (D, D), dtype=jnp.float32) * scale
    W_neigh2 = jax.random.normal(ks[5], (D, D), dtype=jnp.float32) * scale
    b2 = jnp.zeros((D,), dtype=jnp.float32)
    return {"x": x, "edge_index": edge_index, "W_self1": W_self1, "W_neigh1": W_neigh1, "b1": b1, "W_self2": W_self2, "W_neigh2": W_neigh2, "b2": b2}


def _sage_layer(h, edge_index, W_self, W_neigh, b, apply_relu):
    # DGL SAGEConv with mean aggregator: fc_self(h_dst) + fc_neigh(mean of neighbor feats)
    src = edge_index[0]
    dst = edge_index[1]
    msg = jnp.take(h, src, axis=0)
    agg = jax.ops.segment_sum(msg, dst, num_segments=N)
    deg = jax.ops.segment_sum(jnp.ones((edge_index.shape[1],), dtype=jnp.float32), dst, num_segments=N)
    h_neigh = agg / jnp.clip(deg, 1.0, None)[:, None]
    out = h @ W_self + h_neigh @ W_neigh + b
    if apply_relu:
        out = jax.nn.relu(out)
    return out


def reference(x, edge_index, W_self1, W_neigh1, b1, W_self2, W_neigh2, b2):
    # HeteroGraphConv with a single edge type and aggregate='sum' reduces to a plain SAGEConv.
    # Layer 1: relu activation; Layer 2: no activation. feat_drop=0.0 -> no dropout.
    h = _sage_layer(x, edge_index, W_self1, W_neigh1, b1, True)
    h = _sage_layer(h, edge_index, W_self2, W_neigh2, b2, False)
    return h

if __name__ == "__main__":
    import jax
    _d = setup_inputs()
    print(jax.jit(kernel)(*tuple(_d.values())))

</pallas_src>

<mosaic_0001>
#map = affine_map<(d0, d1) -> (0, 0)>
#map1 = affine_map<(d0, d1) -> (0, 0, 0)>
module attributes {stable_mosaic.version = 14 : i64} {
  func.func @_sc_agg(%arg0: i32, %arg1: i32, %arg2: memref<10000x128xf32, #tpu.memory_space<hbm>>, %arg3: memref<3200x100xi32, #tpu.memory_space<hbm>>, %arg4: memref<3200x100xi32, #tpu.memory_space<hbm>>, %arg5: memref<2x10000x128xf32, #tpu.memory_space<hbm>>, %arg6: memref<100x100xi32, #tpu.memory_space<vmem>>, %arg7: memref<100x100xi32, #tpu.memory_space<vmem>>, %arg8: memref<100x128xf32, #tpu.memory_space<vmem>>, %arg9: memref<100x128xf32, #tpu.memory_space<vmem>>, %arg10: memref<10000x128xf32, #tpu.memory_space<vmem_shared>>, %arg11: memref<!tpu.dma_semaphore, #tpu.memory_space<semaphore_mem>>, %arg12: memref<!tpu.dma_semaphore, #tpu.memory_space<semaphore_mem>>, %arg13: memref<!tpu.dma_semaphore, #tpu.memory_space<semaphore_mem>>) attributes {dimension_semantics = [#tpu.dimension_semantics<core_parallel>, #tpu.dimension_semantics<subcore_parallel>], iteration_bounds = array<i64: 2, 16>, scalar_prefetch = 0 : i64, scratch_operands = 8 : i64, tpu.core_type = #tpu.core_type<sc_vector_subcore>, window_params = [{transform_indices = #map}, {transform_indices = #map}, {transform_indices = #map}, {transform_indices = #map1}]} {
    %mul3A = arith.constant 2 : i32
    %mul3A_0 = arith.muli %arg1, %mul3A : i32
    %add3A = arith.addi %mul3A_0, %arg0 : i32
    %mul3A_1 = arith.constant 625 : i32
    %mul3A_2 = arith.muli %arg1, %mul3A_1 : i32
    %mul3A_3 = arith.constant 100 : i32
    %mul3A_4 = arith.muli %add3A, %mul3A_3 : i32
    %dma_start3A = arith.constant 0 : i32
    %dma_start3A_5 = tpu.memref_slice %arg3[%mul3A_4, %dma_start3A] : memref<3200x100xi32, #tpu.memory_space<hbm>> -> memref<100x100xi32, #tpu.memory_space<hbm>>
    %dma_start3A_6 = arith.constant 0 : i32
    %dma_start3A_7 = tpu.memref_slice %arg3[%mul3A_4, %dma_start3A_6] : memref<3200x100xi32, #tpu.memory_space<hbm>> -> memref<100x100xi32, #tpu.memory_space<hbm>>
    tpu.enqueue_dma source(%dma_start3A_7 : memref<100x100xi32, #tpu.memory_space<hbm>>) target(%arg6 : memref<100x100xi32, #tpu.memory_space<vmem>>) target_semaphore(%arg11 : memref<!tpu.dma_semaphore, #tpu.memory_space<semaphore_mem>>)
    %mul3A_8 = arith.constant 100 : i32
    %mul3A_9 = arith.muli %add3A, %mul3A_8 : i32
    %dma_start3A_10 = arith.constant 0 : i32
    %dma_start3A_11 = tpu.memref_slice %arg4[%mul3A_9, %dma_start3A_10] : memref<3200x100xi32, #tpu.memory_space<hbm>> -> memref<100x100xi32, #tpu.memory_space<hbm>>
    %dma_start3A_12 = arith.constant 0 : i32
    %dma_start3A_13 = tpu.memref_slice %arg4[%mul3A_9, %dma_start3A_12] : memref<3200x100xi32, #tpu.memory_space<hbm>> -> memref<100x100xi32, #tpu.memory_space<hbm>>
    tpu.enqueue_dma source(%dma_start3A_13 : memref<100x100xi32, #tpu.memory_space<hbm>>) target(%arg7 : memref<100x100xi32, #tpu.memory_space<vmem>>) target_semaphore(%arg12 : memref<!tpu.dma_semaphore, #tpu.memory_space<semaphore_mem>>)
    %broadcast_in_dim3A = arith.constant 0.000000e+00 : f32
    %broadcast_in_dim3A_14 = vector.broadcast %broadcast_in_dim3A : f32 to vector<16xf32>
    %scan3A = arith.constant 0 : i32
    %scan3A_15 = arith.constant 0 : i32
    %scan3A_16 = arith.constant 800 : i32
    %scan3A_17 = arith.addi %scan3A_15, %scan3A_16 : i32
    %scan3A_18 = arith.constant 1 : i32
    scf.for %scan3A_123 = %scan3A_15 to %scan3A_17 step %scan3A_18  : i32 {
      %jit3A = arith.constant 8 : i32
      %div3A = arith.divsi %scan3A_123, %jit3A : i32
      %sign3A = arith.constant 0 : i32
      %sign3A_124 = arith.cmpi sgt, %scan3A_123, %sign3A : i32
      %sign3A_125 = arith.extui %sign3A_124 : i1 to i32
      %sign3A_126 = arith.constant 0 : i32
      %sign3A_127 = arith.cmpi slt, %scan3A_123, %sign3A_126 : i32
      %sign3A_128 = arith.extui %sign3A_127 : i1 to i32
      %sign3A_129 = arith.subi %sign3A_125, %sign3A_128 : i32
      %sign3A_130 = arith.constant 0 : i32
      %sign3A_131 = arith.cmpi sgt, %jit3A, %sign3A_130 : i32
      %sign3A_132 = arith.extui %sign3A_131 : i1 to i32
      %sign3A_133 = arith.constant 0 : i32
      %sign3A_134 = arith.cmpi slt, %jit3A, %sign3A_133 : i32
      %sign3A_135 = arith.extui %sign3A_134 : i1 to i32
      %sign3A_136 = arith.subi %sign3A_132, %sign3A_135 : i32
      %ne3A = arith.cmpi ne, %sign3A_129, %sign3A_136 : i32
      %rem3A = arith.remsi %scan3A_123, %jit3A : i32
      %ne3A_137 = arith.constant 0 : i32
      %ne3A_138 = arith.cmpi ne, %rem3A, %ne3A_137 : i32
      %and3A = arith.andi %ne3A, %ne3A_138 : i1
      %sub3A = arith.constant 1 : i32
      %sub3A_139 = arith.subi %div3A, %sub3A : i32
      %select_n3A = arith.select %and3A, %sub3A_139, %div3A : i32
      %jit3A_140 = arith.constant 8 : i32
      %eq3A = arith.constant 0 : i32
      %eq3A_141 = arith.cmpi eq, %jit3A_140, %eq3A : i32
      %jit3A_142 = arith.constant 1 : i32
      %select_n3A_143 = arith.select %eq3A_141, %jit3A_142, %jit3A_140 : i32
      %rem3A_144 = arith.remsi %scan3A_123, %select_n3A_143 : i32
      %ne3A_145 = arith.constant 0 : i32
      %ne3A_146 = arith.cmpi ne, %rem3A_144, %ne3A_145 : i32
      %lt3A = arith.constant 0 : i32
      %lt3A_147 = arith.cmpi slt, %rem3A_144, %lt3A : i32
      %lt3A_148 = arith.constant 0 : i32
      %lt3A_149 = arith.cmpi slt, %select_n3A_143, %lt3A_148 : i32
      %ne3A_150 = arith.xori %lt3A_147, %lt3A_149 : i1
      %and3A_151 = arith.andi %ne3A_150, %ne3A_146 : i1
      %add3A_152 = arith.addi %rem3A_144, %select_n3A_143 : i32
      %select_n3A_153 = arith.select %and3A_151, %add3A_152, %rem3A_144 : i32
      %mul3A_154 = arith.constant 16 : i32
      %mul3A_155 = arith.muli %select_n3A_153, %mul3A_154 : i32
      %swap3A = arith.index_cast %select_n3A : i32 to index
      %swap3A_156 = arith.index_cast %mul3A_155 : i32 to index
      %swap3A_157 = tpu.vector_load %arg8[%swap3A, %swap3A_156] {strides = array<i32>} : memref<100x128xf32, #tpu.memory_space<vmem>>, vector<16xf32>,
      tpu.vector_store %arg8[%swap3A, %swap3A_156], %broadcast_in_dim3A_14 {strides = array<i32>} : memref<100x128xf32, #tpu.memory_space<vmem>>, vector<16xf32>,
    }
    %scan3A_19 = arith.constant 800 : i32
    %add3A_20 = arith.constant 0 : i32
    %add3A_21 = arith.addi %mul3A_2, %add3A_20 : i32
    %dma_start3A_22 = arith.constant 0 : i32
    %dma_start3A_23 = tpu.memref_slice %arg10[%add3A_21, %dma_start3A_22] : memref<10000x128xf32, #tpu.memory_space<vmem_shared>> -> memref<100x128xf32, #tpu.memory_space<vmem_shared>>
    %dma_start3A_24 = arith.constant 0 : i32
    %dma_start3A_25 = tpu.memref_slice %arg10[%add3A_21, %dma_start3A_24] : memref<10000x128xf32, #tpu.memory_space<vmem_shared>> -> memref<100x128xf32, #tpu.memory_space<vmem_shared>>
    tpu.enqueue_dma source(%arg8 : memref<100x128xf32, #tpu.memory_space<vmem>>) target(%dma_start3A_25 : memref<100x128xf32, #tpu.memory_space<vmem_shared>>) target_semaphore(%arg13 : memref<!tpu.dma_semaphore, #tpu.memory_space<semaphore_mem>>)
    %add3A_26 = arith.constant 100 : i32
    %add3A_27 = arith.addi %mul3A_2, %add3A_26 : i32
    %dma_start3A_28 = arith.constant 0 : i32
    %dma_start3A_29 = tpu.memref_slice %arg10[%add3A_27, %dma_start3A_28] : memref<10000x128xf32, #tpu.memory_space<vmem_shared>> -> memref<100x128xf32, #tpu.memory_space<vmem_shared>>
    %dma_start3A_30 = arith.constant 0 : i32
    %dma_start3A_31 = tpu.memref_slice %arg10[%add3A_27, %dma_start3A_30] : memref<10000x128xf32, #tpu.memory_space<vmem_shared>> -> memref<100x128xf32, #tpu.memory_space<vmem_shared>>
    tpu.enqueue_dma source(%arg8 : memref<100x128xf32, #tpu.memory_space<vmem>>) target(%dma_start3A_31 : memref<100x128xf32, #tpu.memory_space<vmem_shared>>) target_semaphore(%arg13 : memref<!tpu.dma_semaphore, #tpu.memory_space<semaphore_mem>>)
    %add3A_32 = arith.constant 200 : i32
    %add3A_33 = arith.addi %mul3A_2, %add3A_32 : i32
    %dma_start3A_34 = arith.constant 0 : i32
    %dma_start3A_35 = tpu.memref_slice %arg10[%add3A_33, %dma_start3A_34] : memref<10000x128xf32, #tpu.memory_space<vmem_shared>> -> memref<100x128xf32, #tpu.memory_space<vmem_shared>>
    %dma_start3A_36 = arith.constant 0 : i32
    %dma_start3A_37 = tpu.memref_slice %arg10[%add3A_33, %dma_start3A_36] : memref<10000x128xf32, #tpu.memory_space<vmem_shared>> -> memref<100x128xf32, #tpu.memory_space<vmem_shared>>
    tpu.enqueue_dma source(%arg8 : memref<100x128xf32, #tpu.memory_space<vmem>>) target(%dma_start3A_37 : memref<100x128xf32, #tpu.memory_space<vmem_shared>>) target_semaphore(%arg13 : memref<!tpu.dma_semaphore, #tpu.memory_space<semaphore_mem>>)
    %add3A_38 = arith.constant 300 : i32
    %add3A_39 = arith.addi %mul3A_2, %add3A_38 : i32
    %dma_start3A_40 = arith.constant 0 : i32
    %dma_start3A_41 = tpu.memref_slice %arg10[%add3A_39, %dma_start3A_40] : memref<10000x128xf32, #tpu.memory_space<vmem_shared>> -> memref<100x128xf32, #tpu.memory_space<vmem_shared>>
    %dma_start3A_42 = arith.constant 0 : i32
    %dma_start3A_43 = tpu.memref_slice %arg10[%add3A_39, %dma_start3A_42] : memref<10000x128xf32, #tpu.memory_space<vmem_shared>> -> memref<100x128xf32, #tpu.memory_space<vmem_shared>>
    tpu.enqueue_dma source(%arg8 : memref<100x128xf32, #tpu.memory_space<vmem>>) target(%dma_start3A_43 : memref<100x128xf32, #tpu.memory_space<vmem_shared>>) target_semaphore(%arg13 : memref<!tpu.dma_semaphore, #tpu.memory_space<semaphore_mem>>)
    %add3A_44 = arith.constant 400 : i32
    %add3A_45 = arith.addi %mul3A_2, %add3A_44 : i32
    %dma_start3A_46 = arith.constant 0 : i32
    %dma_start3A_47 = tpu.memref_slice %arg10[%add3A_45, %dma_start3A_46] : memref<10000x128xf32, #tpu.memory_space<vmem_shared>> -> memref<100x128xf32, #tpu.memory_space<vmem_shared>>
    %dma_start3A_48 = arith.constant 0 : i32
    %dma_start3A_49 = tpu.memref_slice %arg10[%add3A_45, %dma_start3A_48] : memref<10000x128xf32, #tpu.memory_space<vmem_shared>> -> memref<100x128xf32, #tpu.memory_space<vmem_shared>>
    tpu.enqueue_dma source(%arg8 : memref<100x128xf32, #tpu.memory_space<vmem>>) target(%dma_start3A_49 : memref<100x128xf32, #tpu.memory_space<vmem_shared>>) target_semaphore(%arg13 : memref<!tpu.dma_semaphore, #tpu.memory_space<semaphore_mem>>)
    %add3A_50 = arith.constant 500 : i32
    %add3A_51 = arith.addi %mul3A_2, %add3A_50 : i32
    %dma_start3A_52 = arith.constant 0 : i32
    %dma_start3A_53 = tpu.memref_slice %arg10[%add3A_51, %dma_start3A_52] : memref<10000x128xf32, #tpu.memory_space<vmem_shared>> -> memref<100x128xf32, #tpu.memory_space<vmem_shared>>
    %dma_start3A_54 = arith.constant 0 : i32
    %dma_start3A_55 = tpu.memref_slice %arg10[%add3A_51, %dma_start3A_54] : memref<10000x128xf32, #tpu.memory_space<vmem_shared>> -> memref<100x128xf32, #tpu.memory_space<vmem_shared>>
    tpu.enqueue_dma source(%arg8 : memref<100x128xf32, #tpu.memory_space<vmem>>) target(%dma_start3A_55 : memref<100x128xf32, #tpu.memory_space<vmem_shared>>) target_semaphore(%arg13 : memref<!tpu.dma_semaphore, #tpu.memory_space<semaphore_mem>>)
    %add3A_56 = arith.constant 600 : i32
    %add3A_57 = arith.addi %mul3A_2, %add3A_56 : i32
    %dma_start3A_58 = arith.constant 0 : i32
    %dma_start3A_59 = arith.constant 0 : i32
    %dma_start3A_60 = tpu.memref_slice %arg8[%dma_start3A_58, %dma_start3A_59] : memref<100x128xf32, #tpu.memory_space<vmem>> -> memref<25x128xf32, #tpu.memory_space<vmem>>
    %dma_start3A_61 = arith.constant 0 : i32
    %dma_start3A_62 = tpu.memref_slice %arg10[%add3A_57, %dma_start3A_61] : memref<10000x128xf32, #tpu.memory_space<vmem_shared>> -> memref<25x128xf32, #tpu.memory_space<vmem_shared>>
    %dma_start3A_63 = arith.constant 0 : i32
    %dma_start3A_64 = tpu.memref_slice %arg10[%add3A_57, %dma_start3A_63] : memref<10000x128xf32, #tpu.memory_space<vmem_shared>> -> memref<25x128xf32, #tpu.memory_space<vmem_shared>>
    %dma_start3A_65 = arith.constant 0 : i32
    %dma_start3A_66 = arith.constant 0 : i32
    %dma_start3A_67 = tpu.memref_slice %arg8[%dma_start3A_65, %dma_start3A_66] : memref<100x128xf32, #tpu.memory_space<vmem>> -> memref<25x128xf32, #tpu.memory_space<vmem>>
    tpu.enqueue_dma source(%dma_start3A_67 : memref<25x128xf32, #tpu.memory_space<vmem>>) target(%dma_start3A_64 : memref<25x128xf32, #tpu.memory_space<vmem_shared>>) target_semaphore(%arg13 : memref<!tpu.dma_semaphore, #tpu.memory_space<semaphore_mem>>)
    %dma_wait3A = arith.constant 0 : i32
    %dma_wait3A_68 = tpu.memref_slice %arg10[%add3A_21, %dma_wait3A] : memref<10000x128xf32, #tpu.memory_space<vmem_shared>> -> memref<100x128xf32, #tpu.memory_space<vmem_shared>>
    %dma_wait3A_69 = arith.constant 0 : i32
    %dma_wait3A_70 = tpu.memref_slice %arg10[%add3A_21, %dma_wait3A_69] : memref<10000x128xf32, #tpu.memory_space<vmem_shared>> -> memref<100x128xf32, #tpu.memory_space<vmem_shared>>
    tpu.wait_dma2 semaphore(%arg13 : memref<!tpu.dma_semaphore, #tpu.memory_space<semaphore_mem>>) src(%arg8 : memref<100x128xf32, #tpu.memory_space<vmem>>) dst(%dma_wait3A_70 : memref<100x128xf32, #tpu.memory_space<vmem_shared>>)
    %dma_wait3A_71 = arith.constant 0 : i32
    %dma_wait3A_72 = tpu.memref_slice %arg10[%add3A_27, %dma_wait3A_71] : memref<10000x128xf32, #tpu.memory_space<vmem_shared>> -> memref<100x128xf32, #tpu.memory_space<vmem_shared>>
    %dma_wait3A_73 = arith.constant 0 : i32
    %dma_wait3A_74 = tpu.memref_slice %arg10[%add3A_27, %dma_wait3A_73] : memref<10000x128xf32, #tpu.memory_space<vmem_shared>> -> memref<100x128xf32, #tpu.memory_space<vmem_shared>>
    tpu.wait_dma2 semaphore(%arg13 : memref<!tpu.dma_semaphore, #tpu.memory_space<semaphore_mem>>) src(%arg8 : memref<100x128xf32, #tpu.memory_space<vmem>>) dst(%dma_wait3A_74 : memref<100x128xf32, #tpu.memory_space<vmem_shared>>)
    %dma_wait3A_75 = arith.constant 0 : i32
    %dma_wait3A_76 = tpu.memref_slice %arg10[%add3A_33, %dma_wait3A_75] : memref<10000x128xf32, #tpu.memory_space<vmem_shared>> -> memref<100x128xf32, #tpu.memory_space<vmem_shared>>
    %dma_wait3A_77 = arith.constant 0 : i32
    %dma_wait3A_78 = tpu.memref_slice %arg10[%add3A_33, %dma_wait3A_77] : memref<10000x128xf32, #tpu.memory_space<vmem_shared>> -> memref<100x128xf32, #tpu.memory_space<vmem_shared>>
    tpu.wait_dma2 semaphore(%arg13 : memref<!tpu.dma_semaphore, #tpu.memory_space<semaphore_mem>>) src(%arg8 : memref<100x128xf32, #tpu.memory_space<vmem>>) dst(%dma_wait3A_78 : memref<100x128xf32, #tpu.memory_space<vmem_shared>>)
    %dma_wait3A_79 = arith.constant 0 : i32
    %dma_wait3A_80 = tpu.memref_slice %arg10[%add3A_39, %dma_wait3A_79] : memref<10000x128xf32, #tpu.memory_space<vmem_shared>> -> memref<100x128xf32, #tpu.memory_space<vmem_shared>>
    %dma_wait3A_81 = arith.constant 0 : i32
    %dma_wait3A_82 = tpu.memref_slice %arg10[%add3A_39, %dma_wait3A_81] : memref<10000x128xf32, #tpu.memory_space<vmem_shared>> -> memref<100x128xf32, #tpu.memory_space<vmem_shared>>
    tpu.wait_dma2 semaphore(%arg13 : memref<!tpu.dma_semaphore, #tpu.memory_space<semaphore_mem>>) src(%arg8 : memref<100x128xf32, #tpu.memory_space<vmem>>) dst(%dma_wait3A_82 : memref<100x128xf32, #tpu.memory_space<vmem_shared>>)
    %dma_wait3A_83 = arith.constant 0 : i32
    %dma_wait3A_84 = tpu.memref_slice %arg10[%add3A_45, %dma_wait3A_83] : memref<10000x128xf32, #tpu.memory_space<vmem_shared>> -> memref<100x128xf32, #tpu.memory_space<vmem_shared>>
    %dma_wait3A_85 = arith.constant 0 : i32
    %dma_wait3A_86 = tpu.memref_slice %arg10[%add3A_45, %dma_wait3A_85] : memref<10000x128xf32, #tpu.memory_space<vmem_shared>> -> memref<100x128xf32, #tpu.memory_space<vmem_shared>>
    tpu.wait_dma2 semaphore(%arg13 : memref<!tpu.dma_semaphore, #tpu.memory_space<semaphore_mem>>) src(%arg8 : memref<100x128xf32, #tpu.memory_space<vmem>>) dst(%dma_wait3A_86 : memref<100x128xf32, #tpu.memory_space<vmem_shared>>)
    %dma_wait3A_87 = arith.constant 0 : i32
    %dma_wait3A_88 = tpu.memref_slice %arg10[%add3A_51, %dma_wait3A_87] : memref<10000x128xf32, #tpu.memory_space<vmem_shared>> -> memref<100x128xf32, #tpu.memory_space<vmem_shared>>
    %dma_wait3A_89 = arith.constant 0 : i32
    %dma_wait3A_90 = tpu.memref_slice %arg10[%add3A_51, %dma_wait3A_89] : memref<10000x128xf32, #tpu.memory_space<vmem_shared>> -> memref<100x128xf32, #tpu.memory_space<vmem_shared>>
    tpu.wait_dma2 semaphore(%arg13 : memref<!tpu.dma_semaphore, #tpu.memory_space<semaphore_mem>>) src(%arg8 : memref<100x128xf32, #tpu.memory_space<vmem>>) dst(%dma_wait3A_90 : memref<100x128xf32, #tpu.memory_space<vmem_shared>>)
    %dma_wait3A_91 = arith.constant 0 : i32
    %dma_wait3A_92 = arith.constant 0 : i32
    %dma_wait3A_93 = tpu.memref_slice %arg8[%dma_wait3A_91, %dma_wait3A_92] : memref<100x128xf32, #tpu.memory_space<vmem>> -> memref<25x128xf32, #tpu.memory_space<vmem>>
    %dma_wait3A_94 = arith.constant 0 : i32
    %dma_wait3A_95 = tpu.memref_slice %arg10[%add3A_57, %dma_wait3A_94] : memref<10000x128xf32, #tpu.memory_space<vmem_shared>> -> memref<25x128xf32, #tpu.memory_space<vmem_shared>>
    %dma_wait3A_96 = arith.constant 0 : i32
    %dma_wait3A_97 = tpu.memref_slice %arg10[%add3A_57, %dma_wait3A_96] : memref<10000x128xf32, #tpu.memory_space<vmem_shared>> -> memref<25x128xf32, #tpu.memory_space<vmem_shared>>
    %dma_wait3A_98 = arith.constant 0 : i32
    %dma_wait3A_99 = arith.constant 0 : i32
    %dma_wait3A_100 = tpu.memref_slice %arg8[%dma_wait3A_98, %dma_wait3A_99] : memref<100x128xf32, #tpu.memory_space<vmem>> -> memref<25x128xf32, #tpu.memory_space<vmem>>
    tpu.wait_dma2 semaphore(%arg13 : memref<!tpu.dma_semaphore, #tpu.memory_space<semaphore_mem>>) src(%dma_wait3A_100 : memref<25x128xf32, #tpu.memory_space<vmem>>) dst(%dma_wait3A_97 : memref<25x128xf32, #tpu.memory_space<vmem_shared>>)
    %dma_wait3A_101 = arith.constant 0 : i32
    %dma_wait3A_102 = tpu.memref_slice %arg3[%mul3A_4, %dma_wait3A_101] : memref<3200x100xi32, #tpu.memory_space<hbm>> -> memref<100x100xi32, #tpu.memory_space<hbm>>
    %dma_wait3A_103 = arith.constant 0 : i32
    %dma_wait3A_104 = tpu.memref_slice %arg3[%mul3A_4, %dma_wait3A_103] : memref<3200x100xi32, #tpu.memory_space<hbm>> -> memref<100x100xi32, #tpu.memory_space<hbm>>
    tpu.wait_dma2 semaphore(%arg11 : memref<!tpu.dma_semaphore, #tpu.memory_space<semaphore_mem>>) src(%dma_wait3A_104 : memref<100x100xi32, #tpu.memory_space<hbm>>) dst(%arg6 : memref<100x100xi32, #tpu.memory_space<vmem>>)
    %dma_wait3A_105 = arith.constant 0 : i32
    %dma_wait3A_106 = tpu.memref_slice %arg4[%mul3A_9, %dma_wait3A_105] : memref<3200x100xi32, #tpu.memory_space<hbm>> -> memref<100x100xi32, #tpu.memory_space<hbm>>
    %dma_wait3A_107 = arith.constant 0 : i32
    %dma_wait3A_108 = tpu.memref_slice %arg4[%mul3A_9, %dma_wait3A_107] : memref<3200x100xi32, #tpu.memory_space<hbm>> -> memref<100x100xi32, #tpu.memory_space<hbm>>
    tpu.wait_dma2 semaphore(%arg12 : memref<!tpu.dma_semaphore, #tpu.memory_space<semaphore_mem>>) src(%dma_wait3A_108 : memref<100x100xi32, #tpu.memory_space<hbm>>) dst(%arg7 : memref<100x100xi32, #tpu.memory_space<vmem>>)
    %barrier3A = arith.constant 0 : index
    tpu.barrier barrier_id(%barrier3A)
    %dma_start3A_109 = arith.constant 0 : i32
    %dma_start3A_110 = arith.constant 0 : i32
    %dma_start3A_111 = tpu.memref_slice %arg6[%dma_start3A_109, %dma_start3A_110] : memref<100x100xi32, #tpu.memory_space<vmem>> -> memref<1x100xi32, #tpu.memory_space<vmem>>
    %dma_start3A_112 = tpu.memref_squeeze %dma_start3A_111 : memref<1x100xi32, #tpu.memory_space<vmem>> -> memref<100xi32, #tpu.memory_space<vmem>>
    %dma_start3A_113 = arith.constant 0 : i32
    %dma_start3A_114 = arith.constant 0 : i32
    %dma_start3A_115 = tpu.memref_slice %arg2[%dma_start3A_113, %dma_start3A_114] : memref<10000x128xf32, #tpu.memory_space<hbm>> -> memref<10000x128xf32, #tpu.memory_space<hbm>>
    tpu.enqueue_indirect_dma source(%dma_start3A_115 : memref<10000x128xf32, #tpu.memory_space<hbm>>) target(%arg8 : memref<100x128xf32, #tpu.memory_space<vmem>>) offsets(%dma_start3A_112 : memref<100xi32, #tpu.memory_space<vmem>>) semaphore(%arg11 : memref<!tpu.dma_semaphore, #tpu.memory_space<semaphore_mem>>)
    %scan3A_116 = arith.constant 0 : i32
    %scan3A_117 = arith.constant 0 : i32
    %scan3A_118 = arith.constant 50 : i32
    %scan3A_119 = arith.addi %scan3A_117, %scan3A_118 : i32
    %scan3A_120 = arith.constant 1 : i32
    scf.for %scan3A_123 = %scan3A_117 to %scan3A_119 step %scan3A_120  : i32 {
      %mul3A_124 = arith.constant 2 : i32
      %mul3A_125 = arith.muli %mul3A_124, %scan3A_123 : i32
      %add3A_126 = arith.constant 1 : i32
      %add3A_127 = arith.addi %mul3A_125, %add3A_126 : i32
      %dma_start3A_128 = arith.constant 0 : i32
      %dma_start3A_129 = tpu.memref_slice %arg6[%add3A_127, %dma_start3A_128] : memref<100x100xi32, #tpu.memory_space<vmem>> -> memref<1x100xi32, #tpu.memory_space<vmem>>
      %dma_start3A_130 = tpu.memref_squeeze %dma_start3A_129 : memref<1x100xi32, #tpu.memory_space<vmem>> -> memref<100xi32, #tpu.memory_space<vmem>>
      %dma_start3A_131 = arith.constant 0 : i32
      %dma_start3A_132 = arith.constant 0 : i32
      %dma_start3A_133 = tpu.memref_slice %arg2[%dma_start3A_131, %dma_start3A_132] : memref<10000x128xf32, #tpu.memory_space<hbm>> -> memref<10000x128xf32, #tpu.memory_space<hbm>>
      tpu.enqueue_indirect_dma source(%dma_start3A_133 : memref<10000x128xf32, #tpu.memory_space<hbm>>) target(%arg9 : memref<100x128xf32, #tpu.memory_space<vmem>>) offsets(%dma_start3A_130 : memref<100xi32, #tpu.memory_space<vmem>>) semaphore(%arg12 : memref<!tpu.dma_semaphore, #tpu.memory_space<semaphore_mem>>)
      %dma_wait3A_134 = arith.constant 0 : i32
      %dma_wait3A_135 = tpu.memref_slice %arg6[%mul3A_125, %dma_wait3A_134] : memref<100x100xi32, #tpu.memory_space<vmem>> -> memref<1x100xi32, #tpu.memory_space<vmem>>
      %dma_wait3A_136 = tpu.memref_squeeze %dma_wait3A_135 : memref<1x100xi32, #tpu.memory_space<vmem>> -> memref<100xi32, #tpu.memory_space<vmem>>
      %dma_wait3A_137 = arith.constant 0 : i32
      %dma_wait3A_138 = arith.constant 0 : i32
      %dma_wait3A_139 = tpu.memref_slice %arg2[%dma_wait3A_137, %dma_wait3A_138] : memref<10000x128xf32, #tpu.memory_space<hbm>> -> memref<10000x128xf32, #tpu.memory_space<hbm>>
      tpu.wait_indirect_dma semaphore(%arg11 : memref<!tpu.dma_semaphore, #tpu.memory_space<semaphore_mem>>) src(%dma_wait3A_139 : memref<10000x128xf32, #tpu.memory_space<hbm>>) dst(%arg8 : memref<100x128xf32, #tpu.memory_space<vmem>>)
      "tpu.region"() ({
        %run_scoped3A = tpu.sem_alloc : memref<!tpu.dma_semaphore, #tpu.memory_space<semaphore_mem>>
        %dma_start3A_152 = arith.constant 0 : i32
        %dma_start3A_153 = tpu.memref_slice %arg7[%mul3A_125, %dma_start3A_152] : memref<100x100xi32, #tpu.memory_space<vmem>> -> memref<1x100xi32, #tpu.memory_space<vmem>>
        %dma_start3A_154 = tpu.memref_squeeze %dma_start3A_153 : memref<1x100xi32, #tpu.memory_space<vmem>> -> memref<100xi32, #tpu.memory_space<vmem>>
        %dma_start3A_155 = arith.constant 0 : i32
        %dma_start3A_156 = arith.constant 0 : i32
        %dma_start3A_157 = tpu.memref_slice %arg10[%dma_start3A_155, %dma_start3A_156] : memref<10000x128xf32, #tpu.memory_space<vmem_shared>> -> memref<10000x128xf32, #tpu.memory_space<vmem_shared>>
        tpu.enqueue_indirect_dma source(%arg8 : memref<100x128xf32, #tpu.memory_space<vmem>>) target(%dma_start3A_157 : memref<10000x128xf32, #tpu.memory_space<vmem_shared>>) offsets(%dma_start3A_154 : memref<100xi32, #tpu.memory_space<vmem>>) semaphore(%run_scoped3A : memref<!tpu.dma_semaphore, #tpu.memory_space<semaphore_mem>>) {add = true}
        %dma_wait3A_158 = arith.constant 0 : i32
        %dma_wait3A_159 = tpu.memref_slice %arg7[%mul3A_125, %dma_wait3A_158] : memref<100x100xi32, #tpu.memory_space<vmem>> -> memref<1x100xi32, #tpu.memory_space<vmem>>
        %dma_wait3A_160 = tpu.memref_squeeze %dma_wait3A_159 : memref<1x100xi32, #tpu.memory_space<vmem>> -> memref<100xi32, #tpu.memory_space<vmem>>
        %dma_wait3A_161 = arith.constant 0 : i32
        %dma_wait3A_162 = arith.constant 0 : i32
        %dma_wait3A_163 = tpu.memref_slice %arg10[%dma_wait3A_161, %dma_wait3A_162] : memref<10000x128xf32, #tpu.memory_space<vmem_shared>> -> memref<10000x128xf32, #tpu.memory_space<vmem_shared>>
        tpu.wait_indirect_dma semaphore(%run_scoped3A : memref<!tpu.dma_semaphore, #tpu.memory_space<semaphore_mem>>) src(%arg8 : memref<100x128xf32, #tpu.memory_space<vmem>>) dst(%dma_wait3A_163 : memref<10000x128xf32, #tpu.memory_space<vmem_shared>>)
        tpu.yield
      }) : () -> ()
      %add3A_140 = arith.constant 2 : i32
      %add3A_141 = arith.addi %mul3A_125, %add3A_140 : i32
      %lt3A = arith.constant 100 : i32
      %lt3A_142 = arith.cmpi slt, %add3A_141, %lt3A : i32
      %convert_element_type3A = arith.extui %lt3A_142 : i1 to i32
      %cond3A = arith.constant 0 : i32
      %cond3A_143 = arith.cmpi ne, %convert_element_type3A, %cond3A : i32
      scf.if %cond3A_143 {
        %add3A_152 = arith.constant 2 : i32
        %add3A_153 = arith.addi %mul3A_125, %add3A_152 : i32
        %dma_start3A_154 = arith.constant 0 : i32
        %dma_start3A_155 = tpu.memref_slice %arg6[%add3A_153, %dma_start3A_154] : memref<100x100xi32, #tpu.memory_space<vmem>> -> memref<1x100xi32, #tpu.memory_space<vmem>>
        %dma_start3A_156 = tpu.memref_squeeze %dma_start3A_155 : memref<1x100xi32, #tpu.memory_space<vmem>> -> memref<100xi32, #tpu.memory_space<vmem>>
        %dma_start3A_157 = arith.constant 0 : i32
        %dma_start3A_158 = arith.constant 0 : i32
        %dma_start3A_159 = tpu.memref_slice %arg2[%dma_start3A_157, %dma_start3A_158] : memref<10000x128xf32, #tpu.memory_space<hbm>> -> memref<10000x128xf32, #tpu.memory_space<hbm>>
        tpu.enqueue_indirect_dma source(%dma_start3A_159 : memref<10000x128xf32, #tpu.memory_space<hbm>>) target(%arg8 : memref<100x128xf32, #tpu.memory_space<vmem>>) offsets(%dma_start3A_156 : memref<100xi32, #tpu.memory_space<vmem>>) semaphore(%arg11 : memref<!tpu.dma_semaphore, #tpu.memory_space<semaphore_mem>>)
      } else {
      }
      %add3A_144 = arith.constant 1 : i32
      %add3A_145 = arith.addi %mul3A_125, %add3A_144 : i32
      %dma_wait3A_146 = arith.constant 0 : i32
      %dma_wait3A_147 = tpu.memref_slice %arg6[%add3A_145, %dma_wait3A_146] : memref<100x100xi32, #tpu.memory_space<vmem>> -> memref<1x100xi32, #tpu.memory_space<vmem>>
      %dma_wait3A_148 = tpu.memref_squeeze %dma_wait3A_147 : memref<1x100xi32, #tpu.memory_space<vmem>> -> memref<100xi32, #tpu.memory_space<vmem>>
      %dma_wait3A_149 = arith.constant 0 : i32
      %dma_wait3A_150 = arith.constant 0 : i32
      %dma_wait3A_151 = tpu.memref_slice %arg2[%dma_wait3A_149, %dma_wait3A_150] : memref<10000x128xf32, #tpu.memory_space<hbm>> -> memref<10000x128xf32, #tpu.memory_space<hbm>>
      tpu.wait_indirect_dma semaphore(%arg12 : memref<!tpu.dma_semaphore, #tpu.memory_space<semaphore_mem>>) src(%dma_wait3A_151 : memref<10000x128xf32, #tpu.memory_space<hbm>>) dst(%arg9 : memref<100x128xf32, #tpu.memory_space<vmem>>)
      "tpu.region"() ({
        %run_scoped3A = tpu.sem_alloc : memref<!tpu.dma_semaphore, #tpu.memory_space<semaphore_mem>>
        %dma_start3A_152 = arith.constant 0 : i32
        %dma_start3A_153 = tpu.memref_slice %arg7[%add3A_145, %dma_start3A_152] : memref<100x100xi32, #tpu.memory_space<vmem>> -> memref<1x100xi32, #tpu.memory_space<vmem>>
        %dma_start3A_154 = tpu.memref_squeeze %dma_start3A_153 : memref<1x100xi32, #tpu.memory_space<vmem>> -> memref<100xi32, #tpu.memory_space<vmem>>
        %dma_start3A_155 = arith.constant 0 : i32
        %dma_start3A_156 = arith.constant 0 : i32
        %dma_start3A_157 = tpu.memref_slice %arg10[%dma_start3A_155, %dma_start3A_156] : memref<10000x128xf32, #tpu.memory_space<vmem_shared>> -> memref<10000x128xf32, #tpu.memory_space<vmem_shared>>
        tpu.enqueue_indirect_dma source(%arg9 : memref<100x128xf32, #tpu.memory_space<vmem>>) target(%dma_start3A_157 : memref<10000x128xf32, #tpu.memory_space<vmem_shared>>) offsets(%dma_start3A_154 : memref<100xi32, #tpu.memory_space<vmem>>) semaphore(%run_scoped3A : memref<!tpu.dma_semaphore, #tpu.memory_space<semaphore_mem>>) {add = true}
        %dma_wait3A_158 = arith.constant 0 : i32
        %dma_wait3A_159 = tpu.memref_slice %arg7[%add3A_145, %dma_wait3A_158] : memref<100x100xi32, #tpu.memory_space<vmem>> -> memref<1x100xi32, #tpu.memory_space<vmem>>
        %dma_wait3A_160 = tpu.memref_squeeze %dma_wait3A_159 : memref<1x100xi32, #tpu.memory_space<vmem>> -> memref<100xi32, #tpu.memory_space<vmem>>
        %dma_wait3A_161 = arith.constant 0 : i32
        %dma_wait3A_162 = arith.constant 0 : i32
        %dma_wait3A_163 = tpu.memref_slice %arg10[%dma_wait3A_161, %dma_wait3A_162] : memref<10000x128xf32, #tpu.memory_space<vmem_shared>> -> memref<10000x128xf32, #tpu.memory_space<vmem_shared>>
        tpu.wait_indirect_dma semaphore(%run_scoped3A : memref<!tpu.dma_semaphore, #tpu.memory_space<semaphore_mem>>) src(%arg9 : memref<100x128xf32, #tpu.memory_space<vmem>>) dst(%dma_wait3A_163 : memref<10000x128xf32, #tpu.memory_space<vmem_shared>>)
        tpu.yield
      }) : () -> ()
    }
    %scan3A_121 = arith.constant 50 : i32
    %barrier3A_122 = arith.constant 0 : index
    tpu.barrier barrier_id(%barrier3A_122)
    "tpu.region"() ({
      %run_scoped3A = tpu.sem_alloc : memref<!tpu.dma_semaphore, #tpu.memory_space<semaphore_mem>>
      %dma_start3A_123 = arith.constant 0 : i32
      %dma_start3A_124 = arith.constant 0 : i32
      %dma_start3A_125 = tpu.memref_slice %arg5[%arg0, %dma_start3A_123, %dma_start3A_124] : memref<2x10000x128xf32, #tpu.memory_space<hbm>> -> memref<1x10000x128xf32, #tpu.memory_space<hbm>>
      %dma_start3A_126 = tpu.memref_squeeze %dma_start3A_125 : memref<1x10000x128xf32, #tpu.memory_space<hbm>> -> memref<10000x128xf32, #tpu.memory_space<hbm>>
      %dma_start3A_127 = arith.constant 0 : i32
      %dma_start3A_128 = tpu.memref_slice %dma_start3A_126[%mul3A_2, %dma_start3A_127] : memref<10000x128xf32, #tpu.memory_space<hbm>> -> memref<625x128xf32, #tpu.memory_space<hbm>>
      %dma_start3A_129 = arith.constant 0 : i32
      %dma_start3A_130 = tpu.memref_slice %arg10[%mul3A_2, %dma_start3A_129] : memref<10000x128xf32, #tpu.memory_space<vmem_shared>> -> memref<625x128xf32, #tpu.memory_space<vmem_shared>>
      tpu.enqueue_dma source(%dma_start3A_130 : memref<625x128xf32, #tpu.memory_space<vmem_shared>>) target(%dma_start3A_128 : memref<625x128xf32, #tpu.memory_space<hbm>>) target_semaphore(%run_scoped3A : memref<!tpu.dma_semaphore, #tpu.memory_space<semaphore_mem>>)
      %dma_wait3A_131 = arith.constant 0 : i32
      %dma_wait3A_132 = arith.constant 0 : i32
      %dma_wait3A_133 = tpu.memref_slice %arg5[%arg0, %dma_wait3A_131, %dma_wait3A_132] : memref<2x10000x128xf32, #tpu.memory_space<hbm>> -> memref<1x10000x128xf32, #tpu.memory_space<hbm>>
      %dma_wait3A_134 = tpu.memref_squeeze %dma_wait3A_133 : memref<1x10000x128xf32, #tpu.memory_space<hbm>> -> memref<10000x128xf32, #tpu.memory_space<hbm>>
      %dma_wait3A_135 = arith.constant 0 : i32
      %dma_wait3A_136 = tpu.memref_slice %dma_wait3A_134[%mul3A_2, %dma_wait3A_135] : memref<10000x128xf32, #tpu.memory_space<hbm>> -> memref<625x128xf32, #tpu.memory_space<hbm>>
      %dma_wait3A_137 = arith.constant 0 : i32
      %dma_wait3A_138 = tpu.memref_slice %arg10[%mul3A_2, %dma_wait3A_137] : memref<10000x128xf32, #tpu.memory_space<vmem_shared>> -> memref<625x128xf32, #tpu.memory_space<vmem_shared>>
      tpu.wait_dma2 semaphore(%run_scoped3A : memref<!tpu.dma_semaphore, #tpu.memory_space<semaphore_mem>>) src(%dma_wait3A_138 : memref<625x128xf32, #tpu.memory_space<vmem_shared>>) dst(%dma_wait3A_136 : memref<625x128xf32, #tpu.memory_space<hbm>>)
      tpu.yield
    }) : () -> ()
    return
  }
}

#map = affine_map<(d0, d1) -> (0, 0)>
#map1 = affine_map<(d0, d1) -> (0, 0, 0)>
module attributes {stable_mosaic.version = 14 : i64} {
  func.func @_sc_agg(%arg0: i32, %arg1: i32, %arg2: memref<10000x128xf32, #tpu.memory_space<hbm>>, %arg3: memref<3200x100xi32, #tpu.memory_space<hbm>>, %arg4: memref<3200x100xi32, #tpu.memory_space<hbm>>, %arg5: memref<2x10000x128xf32, #tpu.memory_space<hbm>>, %arg6: memref<100x100xi32, #tpu.memory_space<vmem>>, %arg7: memref<100x100xi32, #tpu.memory_space<vmem>>, %arg8: memref<100x128xf32, #tpu.memory_space<vmem>>, %arg9: memref<100x128xf32, #tpu.memory_space<vmem>>, %arg10: memref<10000x128xf32, #tpu.memory_space<vmem_shared>>, %arg11: memref<!tpu.dma_semaphore, #tpu.memory_space<semaphore_mem>>, %arg12: memref<!tpu.dma_semaphore, #tpu.memory_space<semaphore_mem>>, %arg13: memref<!tpu.dma_semaphore, #tpu.memory_space<semaphore_mem>>) attributes {dimension_semantics = [#tpu.dimension_semantics<core_parallel>, #tpu.dimension_semantics<subcore_parallel>], iteration_bounds = array<i64: 2, 16>, scalar_prefetch = 0 : i64, scratch_operands = 8 : i64, tpu.core_type = #tpu.core_type<sc_vector_subcore>, window_params = [{transform_indices = #map}, {transform_indices = #map}, {transform_indices = #map}, {transform_indices = #map1}]} {
    %mul3A = arith.constant 2 : i32
    %mul3A_0 = arith.muli %arg1, %mul3A : i32
    %add3A = arith.addi %mul3A_0, %arg0 : i32
    %mul3A_1 = arith.constant 625 : i32
    %mul3A_2 = arith.muli %arg1, %mul3A_1 : i32
    %mul3A_3 = arith.constant 100 : i32
    %mul3A_4 = arith.muli %add3A, %mul3A_3 : i32
    %dma_start3A = arith.constant 0 : i32
    %dma_start3A_5 = tpu.memref_slice %arg3[%mul3A_4, %dma_start3A] : memref<3200x100xi32, #tpu.memory_space<hbm>> -> memref<100x100xi32, #tpu.memory_space<hbm>>
    %dma_start3A_6 = arith.constant 0 : i32
    %dma_start3A_7 = tpu.memref_slice %arg3[%mul3A_4, %dma_start3A_6] : memref<3200x100xi32, #tpu.memory_space<hbm>> -> memref<100x100xi32, #tpu.memory_space<hbm>>
    tpu.enqueue_dma source(%dma_start3A_7 : memref<100x100xi32, #tpu.memory_space<hbm>>) target(%arg6 : memref<100x100xi32, #tpu.memory_space<vmem>>) target_semaphore(%arg11 : memref<!tpu.dma_semaphore, #tpu.memory_space<semaphore_mem>>)
    %mul3A_8 = arith.constant 100 : i32
    %mul3A_9 = arith.muli %add3A, %mul3A_8 : i32
    %dma_start3A_10 = arith.constant 0 : i32
    %dma_start3A_11 = tpu.memref_slice %arg4[%mul3A_9, %dma_start3A_10] : memref<3200x100xi32, #tpu.memory_space<hbm>> -> memref<100x100xi32, #tpu.memory_space<hbm>>
    %dma_start3A_12 = arith.constant 0 : i32
    %dma_start3A_13 = tpu.memref_slice %arg4[%mul3A_9, %dma_start3A_12] : memref<3200x100xi32, #tpu.memory_space<hbm>> -> memref<100x100xi32, #tpu.memory_space<hbm>>
    tpu.enqueue_dma source(%dma_start3A_13 : memref<100x100xi32, #tpu.memory_space<hbm>>) target(%arg7 : memref<100x100xi32, #tpu.memory_space<vmem>>) target_semaphore(%arg12 : memref<!tpu.dma_semaphore, #tpu.memory_space<semaphore_mem>>)
    %broadcast_in_dim3A = arith.constant 0.000000e+00 : f32
    %broadcast_in_dim3A_14 = vector.broadcast %broadcast_in_dim3A : f32 to vector<16xf32>
    %scan3A = arith.constant 0 : i32
    %scan3A_15 = arith.constant 0 : i32
    %scan3A_16 = arith.constant 800 : i32
    %scan3A_17 = arith.addi %scan3A_15, %scan3A_16 : i32
    %scan3A_18 = arith.constant 1 : i32
    scf.for %scan3A_123 = %scan3A_15 to %scan3A_17 step %scan3A_18  : i32 {
      %jit3A = arith.constant 8 : i32
      %div3A = arith.divsi %scan3A_123, %jit3A : i32
      %sign3A = arith.constant 0 : i32
      %sign3A_124 = arith.cmpi sgt, %scan3A_123, %sign3A : i32
      %sign3A_125 = arith.extui %sign3A_124 : i1 to i32
      %sign3A_126 = arith.constant 0 : i32
      %sign3A_127 = arith.cmpi slt, %scan3A_123, %sign3A_126 : i32
      %sign3A_128 = arith.extui %sign3A_127 : i1 to i32
      %sign3A_129 = arith.subi %sign3A_125, %sign3A_128 : i32
      %sign3A_130 = arith.constant 0 : i32
      %sign3A_131 = arith.cmpi sgt, %jit3A, %sign3A_130 : i32
      %sign3A_132 = arith.extui %sign3A_131 : i1 to i32
      %sign3A_133 = arith.constant 0 : i32
      %sign3A_134 = arith.cmpi slt, %jit3A, %sign3A_133 : i32
      %sign3A_135 = arith.extui %sign3A_134 : i1 to i32
      %sign3A_136 = arith.subi %sign3A_132, %sign3A_135 : i32
      %ne3A = arith.cmpi ne, %sign3A_129, %sign3A_136 : i32
      %rem3A = arith.remsi %scan3A_123, %jit3A : i32
      %ne3A_137 = arith.constant 0 : i32
      %ne3A_138 = arith.cmpi ne, %rem3A, %ne3A_137 : i32
      %and3A = arith.andi %ne3A, %ne3A_138 : i1
      %sub3A = arith.constant 1 : i32
      %sub3A_139 = arith.subi %div3A, %sub3A : i32
      %select_n3A = arith.select %and3A, %sub3A_139, %div3A : i32
      %jit3A_140 = arith.constant 8 : i32
      %eq3A = arith.constant 0 : i32
      %eq3A_141 = arith.cmpi eq, %jit3A_140, %eq3A : i32
      %jit3A_142 = arith.constant 1 : i32
      %select_n3A_143 = arith.select %eq3A_141, %jit3A_142, %jit3A_140 : i32
      %rem3A_144 = arith.remsi %scan3A_123, %select_n3A_143 : i32
      %ne3A_145 = arith.constant 0 : i32
      %ne3A_146 = arith.cmpi ne, %rem3A_144, %ne3A_145 : i32
      %lt3A = arith.constant 0 : i32
      %lt3A_147 = arith.cmpi slt, %rem3A_144, %lt3A : i32
      %lt3A_148 = arith.constant 0 : i32
      %lt3A_149 = arith.cmpi slt, %select_n3A_143, %lt3A_148 : i32
      %ne3A_150 = arith.xori %lt3A_147, %lt3A_149 : i1
      %and3A_151 = arith.andi %ne3A_150, %ne3A_146 : i1
      %add3A_152 = arith.addi %rem3A_144, %select_n3A_143 : i32
      %select_n3A_153 = arith.select %and3A_151, %add3A_152, %rem3A_144 : i32
      %mul3A_154 = arith.constant 16 : i32
      %mul3A_155 = arith.muli %select_n3A_153, %mul3A_154 : i32
      %swap3A = arith.index_cast %select_n3A : i32 to index
      %swap3A_156 = arith.index_cast %mul3A_155 : i32 to index
      %swap3A_157 = tpu.vector_load %arg8[%swap3A, %swap3A_156] {strides = array<i32>} : memref<100x128xf32, #tpu.memory_space<vmem>>, vector<16xf32>,
      tpu.vector_store %arg8[%swap3A, %swap3A_156], %broadcast_in_dim3A_14 {strides = array<i32>} : memref<100x128xf32, #tpu.memory_space<vmem>>, vector<16xf32>,
    }
    %scan3A_19 = arith.constant 800 : i32
    %add3A_20 = arith.constant 0 : i32
    %add3A_21 = arith.addi %mul3A_2, %add3A_20 : i32
    %dma_start3A_22 = arith.constant 0 : i32
    %dma_start3A_23 = tpu.memref_slice %arg10[%add3A_21, %dma_start3A_22] : memref<10000x128xf32, #tpu.memory_space<vmem_shared>> -> memref<100x128xf32, #tpu.memory_space<vmem_shared>>
    %dma_start3A_24 = arith.constant 0 : i32
    %dma_start3A_25 = tpu.memref_slice %arg10[%add3A_21, %dma_start3A_24] : memref<10000x128xf32, #tpu.memory_space<vmem_shared>> -> memref<100x128xf32, #tpu.memory_space<vmem_shared>>
    tpu.enqueue_dma source(%arg8 : memref<100x128xf32, #tpu.memory_space<vmem>>) target(%dma_start3A_25 : memref<100x128xf32, #tpu.memory_space<vmem_shared>>) target_semaphore(%arg13 : memref<!tpu.dma_semaphore, #tpu.memory_space<semaphore_mem>>)
    %add3A_26 = arith.constant 100 : i32
    %add3A_27 = arith.addi %mul3A_2, %add3A_26 : i32
    %dma_start3A_28 = arith.constant 0 : i32
    %dma_start3A_29 = tpu.memref_slice %arg10[%add3A_27, %dma_start3A_28] : memref<10000x128xf32, #tpu.memory_space<vmem_shared>> -> memref<100x128xf32, #tpu.memory_space<vmem_shared>>
    %dma_start3A_30 = arith.constant 0 : i32
    %dma_start3A_31 = tpu.memref_slice %arg10[%add3A_27, %dma_start3A_30] : memref<10000x128xf32, #tpu.memory_space<vmem_shared>> -> memref<100x128xf32, #tpu.memory_space<vmem_shared>>
    tpu.enqueue_dma source(%arg8 : memref<100x128xf32, #tpu.memory_space<vmem>>) target(%dma_start3A_31 : memref<100x128xf32, #tpu.memory_space<vmem_shared>>) target_semaphore(%arg13 : memref<!tpu.dma_semaphore, #tpu.memory_space<semaphore_mem>>)
    %add3A_32 = arith.constant 200 : i32
    %add3A_33 = arith.addi %mul3A_2, %add3A_32 : i32
    %dma_start3A_34 = arith.constant 0 : i32
    %dma_start3A_35 = tpu.memref_slice %arg10[%add3A_33, %dma_start3A_34] : memref<10000x128xf32, #tpu.memory_space<vmem_shared>> -> memref<100x128xf32, #tpu.memory_space<vmem_shared>>
    %dma_start3A_36 = arith.constant 0 : i32
    %dma_start3A_37 = tpu.memref_slice %arg10[%add3A_33, %dma_start3A_36] : memref<10000x128xf32, #tpu.memory_space<vmem_shared>> -> memref<100x128xf32, #tpu.memory_space<vmem_shared>>
    tpu.enqueue_dma source(%arg8 : memref<100x128xf32, #tpu.memory_space<vmem>>) target(%dma_start3A_37 : memref<100x128xf32, #tpu.memory_space<vmem_shared>>) target_semaphore(%arg13 : memref<!tpu.dma_semaphore, #tpu.memory_space<semaphore_mem>>)
    %add3A_38 = arith.constant 300 : i32
    %add3A_39 = arith.addi %mul3A_2, %add3A_38 : i32
    %dma_start3A_40 = arith.constant 0 : i32
    %dma_start3A_41 = tpu.memref_slice %arg10[%add3A_39, %dma_start3A_40] : memref<10000x128xf32, #tpu.memory_space<vmem_shared>> -> memref<100x128xf32, #tpu.memory_space<vmem_shared>>
    %dma_start3A_42 = arith.constant 0 : i32
    %dma_start3A_43 = tpu.memref_slice %arg10[%add3A_39, %dma_start3A_42] : memref<10000x128xf32, #tpu.memory_space<vmem_shared>> -> memref<100x128xf32, #tpu.memory_space<vmem_shared>>
    tpu.enqueue_dma source(%arg8 : memref<100x128xf32, #tpu.memory_space<vmem>>) target(%dma_start3A_43 : memref<100x128xf32, #tpu.memory_space<vmem_shared>>) target_semaphore(%arg13 : memref<!tpu.dma_semaphore, #tpu.memory_space<semaphore_mem>>)
    %add3A_44 = arith.constant 400 : i32
    %add3A_45 = arith.addi %mul3A_2, %add3A_44 : i32
    %dma_start3A_46 = arith.constant 0 : i32
    %dma_start3A_47 = tpu.memref_slice %arg10[%add3A_45, %dma_start3A_46] : memref<10000x128xf32, #tpu.memory_space<vmem_shared>> -> memref<100x128xf32, #tpu.memory_space<vmem_shared>>
    %dma_start3A_48 = arith.constant 0 : i32
    %dma_start3A_49 = tpu.memref_slice %arg10[%add3A_45, %dma_start3A_48] : memref<10000x128xf32, #tpu.memory_space<vmem_shared>> -> memref<100x128xf32, #tpu.memory_space<vmem_shared>>
    tpu.enqueue_dma source(%arg8 : memref<100x128xf32, #tpu.memory_space<vmem>>) target(%dma_start3A_49 : memref<100x128xf32, #tpu.memory_space<vmem_shared>>) target_semaphore(%arg13 : memref<!tpu.dma_semaphore, #tpu.memory_space<semaphore_mem>>)
    %add3A_50 = arith.constant 500 : i32
    %add3A_51 = arith.addi %mul3A_2, %add3A_50 : i32
    %dma_start3A_52 = arith.constant 0 : i32
    %dma_start3A_53 = tpu.memref_slice %arg10[%add3A_51, %dma_start3A_52] : memref<10000x128xf32, #tpu.memory_space<vmem_shared>> -> memref<100x128xf32, #tpu.memory_space<vmem_shared>>
    %dma_start3A_54 = arith.constant 0 : i32
    %dma_start3A_55 = tpu.memref_slice %arg10[%add3A_51, %dma_start3A_54] : memref<10000x128xf32, #tpu.memory_space<vmem_shared>> -> memref<100x128xf32, #tpu.memory_space<vmem_shared>>
    tpu.enqueue_dma source(%arg8 : memref<100x128xf32, #tpu.memory_space<vmem>>) target(%dma_start3A_55 : memref<100x128xf32, #tpu.memory_space<vmem_shared>>) target_semaphore(%arg13 : memref<!tpu.dma_semaphore, #tpu.memory_space<semaphore_mem>>)
    %add3A_56 = arith.constant 600 : i32
    %add3A_57 = arith.addi %mul3A_2, %add3A_56 : i32
    %dma_start3A_58 = arith.constant 0 : i32
    %dma_start3A_59 = arith.constant 0 : i32
    %dma_start3A_60 = tpu.memref_slice %arg8[%dma_start3A_58, %dma_start3A_59] : memref<100x128xf32, #tpu.memory_space<vmem>> -> memref<25x128xf32, #tpu.memory_space<vmem>>
    %dma_start3A_61 = arith.constant 0 : i32
    %dma_start3A_62 = tpu.memref_slice %arg10[%add3A_57, %dma_start3A_61] : memref<10000x128xf32, #tpu.memory_space<vmem_shared>> -> memref<25x128xf32, #tpu.memory_space<vmem_shared>>
    %dma_start3A_63 = arith.constant 0 : i32
    %dma_start3A_64 = tpu.memref_slice %arg10[%add3A_57, %dma_start3A_63] : memref<10000x128xf32, #tpu.memory_space<vmem_shared>> -> memref<25x128xf32, #tpu.memory_space<vmem_shared>>
    %dma_start3A_65 = arith.constant 0 : i32
    %dma_start3A_66 = arith.constant 0 : i32
    %dma_start3A_67 = tpu.memref_slice %arg8[%dma_start3A_65, %dma_start3A_66] : memref<100x128xf32, #tpu.memory_space<vmem>> -> memref<25x128xf32, #tpu.memory_space<vmem>>
    tpu.enqueue_dma source(%dma_start3A_67 : memref<25x128xf32, #tpu.memory_space<vmem>>) target(%dma_start3A_64 : memref<25x128xf32, #tpu.memory_space<vmem_shared>>) target_semaphore(%arg13 : memref<!tpu.dma_semaphore, #tpu.memory_space<semaphore_mem>>)
    %dma_wait3A = arith.constant 0 : i32
    %dma_wait3A_68 = tpu.memref_slice %arg10[%add3A_21, %dma_wait3A] : memref<10000x128xf32, #tpu.memory_space<vmem_shared>> -> memref<100x128xf32, #tpu.memory_space<vmem_shared>>
    %dma_wait3A_69 = arith.constant 0 : i32
    %dma_wait3A_70 = tpu.memref_slice %arg10[%add3A_21, %dma_wait3A_69] : memref<10000x128xf32, #tpu.memory_space<vmem_shared>> -> memref<100x128xf32, #tpu.memory_space<vmem_shared>>
    tpu.wait_dma2 semaphore(%arg13 : memref<!tpu.dma_semaphore, #tpu.memory_space<semaphore_mem>>) src(%arg8 : memref<100x128xf32, #tpu.memory_space<vmem>>) dst(%dma_wait3A_70 : memref<100x128xf32, #tpu.memory_space<vmem_shared>>)
    %dma_wait3A_71 = arith.constant 0 : i32
    %dma_wait3A_72 = tpu.memref_slice %arg10[%add3A_27, %dma_wait3A_71] : memref<10000x128xf32, #tpu.memory_space<vmem_shared>> -> memref<100x128xf32, #tpu.memory_space<vmem_shared>>
    %dma_wait3A_73 = arith.constant 0 : i32
    %dma_wait3A_74 = tpu.memref_slice %arg10[%add3A_27, %dma_wait3A_73] : memref<10000x128xf32, #tpu.memory_space<vmem_shared>> -> memref<100x128xf32, #tpu.memory_space<vmem_shared>>
    tpu.wait_dma2 semaphore(%arg13 : memref<!tpu.dma_semaphore, #tpu.memory_space<semaphore_mem>>) src(%arg8 : memref<100x128xf32, #tpu.memory_space<vmem>>) dst(%dma_wait3A_74 : memref<100x128xf32, #tpu.memory_space<vmem_shared>>)
    %dma_wait3A_75 = arith.constant 0 : i32
    %dma_wait3A_76 = tpu.memref_slice %arg10[%add3A_33, %dma_wait3A_75] : memref<10000x128xf32, #tpu.memory_space<vmem_shared>> -> memref<100x128xf32, #tpu.memory_space<vmem_shared>>
    %dma_wait3A_77 = arith.constant 0 : i32
    %dma_wait3A_78 = tpu.memref_slice %arg10[%add3A_33, %dma_wait3A_77] : memref<10000x128xf32, #tpu.memory_space<vmem_shared>> -> memref<100x128xf32, #tpu.memory_space<vmem_shared>>
    tpu.wait_dma2 semaphore(%arg13 : memref<!tpu.dma_semaphore, #tpu.memory_space<semaphore_mem>>) src(%arg8 : memref<100x128xf32, #tpu.memory_space<vmem>>) dst(%dma_wait3A_78 : memref<100x128xf32, #tpu.memory_space<vmem_shared>>)
    %dma_wait3A_79 = arith.constant 0 : i32
    %dma_wait3A_80 = tpu.memref_slice %arg10[%add3A_39, %dma_wait3A_79] : memref<10000x128xf32, #tpu.memory_space<vmem_shared>> -> memref<100x128xf32, #tpu.memory_space<vmem_shared>>
    %dma_wait3A_81 = arith.constant 0 : i32
    %dma_wait3A_82 = tpu.memref_slice %arg10[%add3A_39, %dma_wait3A_81] : memref<10000x128xf32, #tpu.memory_space<vmem_shared>> -> memref<100x128xf32, #tpu.memory_space<vmem_shared>>
    tpu.wait_dma2 semaphore(%arg13 : memref<!tpu.dma_semaphore, #tpu.memory_space<semaphore_mem>>) src(%arg8 : memref<100x128xf32, #tpu.memory_space<vmem>>) dst(%dma_wait3A_82 : memref<100x128xf32, #tpu.memory_space<vmem_shared>>)
    %dma_wait3A_83 = arith.constant 0 : i32
    %dma_wait3A_84 = tpu.memref_slice %arg10[%add3A_45, %dma_wait3A_83] : memref<10000x128xf32, #tpu.memory_space<vmem_shared>> -> memref<100x128xf32, #tpu.memory_space<vmem_shared>>
    %dma_wait3A_85 = arith.constant 0 : i32
    %dma_wait3A_86 = tpu.memref_slice %arg10[%add3A_45, %dma_wait3A_85] : memref<10000x128xf32, #tpu.memory_space<vmem_shared>> -> memref<100x128xf32, #tpu.memory_space<vmem_shared>>
    tpu.wait_dma2 semaphore(%arg13 : memref<!tpu.dma_semaphore, #tpu.memory_space<semaphore_mem>>) src(%arg8 : memref<100x128xf32, #tpu.memory_space<vmem>>) dst(%dma_wait3A_86 : memref<100x128xf32, #tpu.memory_space<vmem_shared>>)
    %dma_wait3A_87 = arith.constant 0 : i32
    %dma_wait3A_88 = tpu.memref_slice %arg10[%add3A_51, %dma_wait3A_87] : memref<10000x128xf32, #tpu.memory_space<vmem_shared>> -> memref<100x128xf32, #tpu.memory_space<vmem_shared>>
    %dma_wait3A_89 = arith.constant 0 : i32
    %dma_wait3A_90 = tpu.memref_slice %arg10[%add3A_51, %dma_wait3A_89] : memref<10000x128xf32, #tpu.memory_space<vmem_shared>> -> memref<100x128xf32, #tpu.memory_space<vmem_shared>>
    tpu.wait_dma2 semaphore(%arg13 : memref<!tpu.dma_semaphore, #tpu.memory_space<semaphore_mem>>) src(%arg8 : memref<100x128xf32, #tpu.memory_space<vmem>>) dst(%dma_wait3A_90 : memref<100x128xf32, #tpu.memory_space<vmem_shared>>)
    %dma_wait3A_91 = arith.constant 0 : i32
    %dma_wait3A_92 = arith.constant 0 : i32
    %dma_wait3A_93 = tpu.memref_slice %arg8[%dma_wait3A_91, %dma_wait3A_92] : memref<100x128xf32, #tpu.memory_space<vmem>> -> memref<25x128xf32, #tpu.memory_space<vmem>>
    %dma_wait3A_94 = arith.constant 0 : i32
    %dma_wait3A_95 = tpu.memref_slice %arg10[%add3A_57, %dma_wait3A_94] : memref<10000x128xf32, #tpu.memory_space<vmem_shared>> -> memref<25x128xf32, #tpu.memory_space<vmem_shared>>
    %dma_wait3A_96 = arith.constant 0 : i32
    %dma_wait3A_97 = tpu.memref_slice %arg10[%add3A_57, %dma_wait3A_96] : memref<10000x128xf32, #tpu.memory_space<vmem_shared>> -> memref<25x128xf32, #tpu.memory_space<vmem_shared>>
    %dma_wait3A_98 = arith.constant 0 : i32
    %dma_wait3A_99 = arith.constant 0 : i32
    %dma_wait3A_100 = tpu.memref_slice %arg8[%dma_wait3A_98, %dma_wait3A_99] : memref<100x128xf32, #tpu.memory_space<vmem>> -> memref<25x128xf32, #tpu.memory_space<vmem>>
    tpu.wait_dma2 semaphore(%arg13 : memref<!tpu.dma_semaphore, #tpu.memory_space<semaphore_mem>>) src(%dma_wait3A_100 : memref<25x128xf32, #tpu.memory_space<vmem>>) dst(%dma_wait3A_97 : memref<25x128xf32, #tpu.memory_space<vmem_shared>>)
    %dma_wait3A_101 = arith.constant 0 : i32
    %dma_wait3A_102 = tpu.memref_slice %arg3[%mul3A_4, %dma_wait3A_101] : memref<3200x100xi32, #tpu.memory_space<hbm>> -> memref<100x100xi32, #tpu.memory_space<hbm>>
    %dma_wait3A_103 = arith.constant 0 : i32
    %dma_wait3A_104 = tpu.memref_slice %arg3[%mul3A_4, %dma_wait3A_103] : memref<3200x100xi32, #tpu.memory_space<hbm>> -> memref<100x100xi32, #tpu.memory_space<hbm>>
    tpu.wait_dma2 semaphore(%arg11 : memref<!tpu.dma_semaphore, #tpu.memory_space<semaphore_mem>>) src(%dma_wait3A_104 : memref<100x100xi32, #tpu.memory_space<hbm>>) dst(%arg6 : memref<100x100xi32, #tpu.memory_space<vmem>>)
    %dma_wait3A_105 = arith.constant 0 : i32
    %dma_wait3A_106 = tpu.memref_slice %arg4[%mul3A_9, %dma_wait3A_105] : memref<3200x100xi32, #tpu.memory_space<hbm>> -> memref<100x100xi32, #tpu.memory_space<hbm>>
    %dma_wait3A_107 = arith.constant 0 : i32
    %dma_wait3A_108 = tpu.memref_slice %arg4[%mul3A_9, %dma_wait3A_107] : memref<3200x100xi32, #tpu.memory_space<hbm>> -> memref<100x100xi32, #tpu.memory_space<hbm>>
    tpu.wait_dma2 semaphore(%arg12 : memref<!tpu.dma_semaphore, #tpu.memory_space<semaphore_mem>>) src(%dma_wait3A_108 : memref<100x100xi32, #tpu.memory_space<hbm>>) dst(%arg7 : memref<100x100xi32, #tpu.memory_space<vmem>>)
    %barrier3A = arith.constant 0 : index
    tpu.barrier barrier_id(%barrier3A)
    %dma_start3A_109 = arith.constant 0 : i32
    %dma_start3A_110 = arith.constant 0 : i32
    %dma_start3A_111 = tpu.memref_slice %arg6[%dma_start3A_109, %dma_start3A_110] : memref<100x100xi32, #tpu.memory_space<vmem>> -> memref<1x100xi32, #tpu.memory_space<vmem>>
    %dma_start3A_112 = tpu.memref_squeeze %dma_start3A_111 : memref<1x100xi32, #tpu.memory_space<vmem>> -> memref<100xi32, #tpu.memory_space<vmem>>
    %dma_start3A_113 = arith.constant 0 : i32
    %dma_start3A_114 = arith.constant 0 : i32
    %dma_start3A_115 = tpu.memref_slice %arg2[%dma_start3A_113, %dma_start3A_114] : memref<10000x128xf32, #tpu.memory_space<hbm>> -> memref<10000x128xf32, #tpu.memory_space<hbm>>
    tpu.enqueue_indirect_dma source(%dma_start3A_115 : memref<10000x128xf32, #tpu.memory_space<hbm>>) target(%arg8 : memref<100x128xf32, #tpu.memory_space<vmem>>) offsets(%dma_start3A_112 : memref<100xi32, #tpu.memory_space<vmem>>) semaphore(%arg11 : memref<!tpu.dma_semaphore, #tpu.memory_space<semaphore_mem>>)
    %scan3A_116 = arith.constant 0 : i32
    %scan3A_117 = arith.constant 0 : i32
    %scan3A_118 = arith.constant 50 : i32
    %scan3A_119 = arith.addi %scan3A_117, %scan3A_118 : i32
    %scan3A_120 = arith.constant 1 : i32
    scf.for %scan3A_123 = %scan3A_117 to %scan3A_119 step %scan3A_120  : i32 {
      %mul3A_124 = arith.constant 2 : i32
      %mul3A_125 = arith.muli %mul3A_124, %scan3A_123 : i32
      %add3A_126 = arith.constant 1 : i32
      %add3A_127 = arith.addi %mul3A_125, %add3A_126 : i32
      %dma_start3A_128 = arith.constant 0 : i32
      %dma_start3A_129 = tpu.memref_slice %arg6[%add3A_127, %dma_start3A_128] : memref<100x100xi32, #tpu.memory_space<vmem>> -> memref<1x100xi32, #tpu.memory_space<vmem>>
      %dma_start3A_130 = tpu.memref_squeeze %dma_start3A_129 : memref<1x100xi32, #tpu.memory_space<vmem>> -> memref<100xi32, #tpu.memory_space<vmem>>
      %dma_start3A_131 = arith.constant 0 : i32
      %dma_start3A_132 = arith.constant 0 : i32
      %dma_start3A_133 = tpu.memref_slice %arg2[%dma_start3A_131, %dma_start3A_132] : memref<10000x128xf32, #tpu.memory_space<hbm>> -> memref<10000x128xf32, #tpu.memory_space<hbm>>
      tpu.enqueue_indirect_dma source(%dma_start3A_133 : memref<10000x128xf32, #tpu.memory_space<hbm>>) target(%arg9 : memref<100x128xf32, #tpu.memory_space<vmem>>) offsets(%dma_start3A_130 : memref<100xi32, #tpu.memory_space<vmem>>) semaphore(%arg12 : memref<!tpu.dma_semaphore, #tpu.memory_space<semaphore_mem>>)
      %dma_wait3A_134 = arith.constant 0 : i32
      %dma_wait3A_135 = tpu.memref_slice %arg6[%mul3A_125, %dma_wait3A_134] : memref<100x100xi32, #tpu.memory_space<vmem>> -> memref<1x100xi32, #tpu.memory_space<vmem>>
      %dma_wait3A_136 = tpu.memref_squeeze %dma_wait3A_135 : memref<1x100xi32, #tpu.memory_space<vmem>> -> memref<100xi32, #tpu.memory_space<vmem>>
      %dma_wait3A_137 = arith.constant 0 : i32
      %dma_wait3A_138 = arith.constant 0 : i32
      %dma_wait3A_139 = tpu.memref_slice %arg2[%dma_wait3A_137, %dma_wait3A_138] : memref<10000x128xf32, #tpu.memory_space<hbm>> -> memref<10000x128xf32, #tpu.memory_space<hbm>>
      tpu.wait_indirect_dma semaphore(%arg11 : memref<!tpu.dma_semaphore, #tpu.memory_space<semaphore_mem>>) src(%dma_wait3A_139 : memref<10000x128xf32, #tpu.memory_space<hbm>>) dst(%arg8 : memref<100x128xf32, #tpu.memory_space<vmem>>)
      "tpu.region"() ({
        %run_scoped3A = tpu.sem_alloc : memref<!tpu.dma_semaphore, #tpu.memory_space<semaphore_mem>>
        %dma_start3A_152 = arith.constant 0 : i32
        %dma_start3A_153 = tpu.memref_slice %arg7[%mul3A_125, %dma_start3A_152] : memref<100x100xi32, #tpu.memory_space<vmem>> -> memref<1x100xi32, #tpu.memory_space<vmem>>
        %dma_start3A_154 = tpu.memref_squeeze %dma_start3A_153 : memref<1x100xi32, #tpu.memory_space<vmem>> -> memref<100xi32, #tpu.memory_space<vmem>>
        %dma_start3A_155 = arith.constant 0 : i32
        %dma_start3A_156 = arith.constant 0 : i32
        %dma_start3A_157 = tpu.memref_slice %arg10[%dma_start3A_155, %dma_start3A_156] : memref<10000x128xf32, #tpu.memory_space<vmem_shared>> -> memref<10000x128xf32, #tpu.memory_space<vmem_shared>>
        tpu.enqueue_indirect_dma source(%arg8 : memref<100x128xf32, #tpu.memory_space<vmem>>) target(%dma_start3A_157 : memref<10000x128xf32, #tpu.memory_space<vmem_shared>>) offsets(%dma_start3A_154 : memref<100xi32, #tpu.memory_space<vmem>>) semaphore(%run_scoped3A : memref<!tpu.dma_semaphore, #tpu.memory_space<semaphore_mem>>) {add = true}
        %dma_wait3A_158 = arith.constant 0 : i32
        %dma_wait3A_159 = tpu.memref_slice %arg7[%mul3A_125, %dma_wait3A_158] : memref<100x100xi32, #tpu.memory_space<vmem>> -> memref<1x100xi32, #tpu.memory_space<vmem>>
        %dma_wait3A_160 = tpu.memref_squeeze %dma_wait3A_159 : memref<1x100xi32, #tpu.memory_space<vmem>> -> memref<100xi32, #tpu.memory_space<vmem>>
        %dma_wait3A_161 = arith.constant 0 : i32
        %dma_wait3A_162 = arith.constant 0 : i32
        %dma_wait3A_163 = tpu.memref_slice %arg10[%dma_wait3A_161, %dma_wait3A_162] : memref<10000x128xf32, #tpu.memory_space<vmem_shared>> -> memref<10000x128xf32, #tpu.memory_space<vmem_shared>>
        tpu.wait_indirect_dma semaphore(%run_scoped3A : memref<!tpu.dma_semaphore, #tpu.memory_space<semaphore_mem>>) src(%arg8 : memref<100x128xf32, #tpu.memory_space<vmem>>) dst(%dma_wait3A_163 : memref<10000x128xf32, #tpu.memory_space<vmem_shared>>)
        tpu.yield
      }) : () -> ()
      %add3A_140 = arith.constant 2 : i32
      %add3A_141 = arith.addi %mul3A_125, %add3A_140 : i32
      %lt3A = arith.constant 100 : i32
      %lt3A_142 = arith.cmpi slt, %add3A_141, %lt3A : i32
      %convert_element_type3A = arith.extui %lt3A_142 : i1 to i32
      %cond3A = arith.constant 0 : i32
      %cond3A_143 = arith.cmpi ne, %convert_element_type3A, %cond3A : i32
      scf.if %cond3A_143 {
        %add3A_152 = arith.constant 2 : i32
        %add3A_153 = arith.addi %mul3A_125, %add3A_152 : i32
        %dma_start3A_154 = arith.constant 0 : i32
        %dma_start3A_155 = tpu.memref_slice %arg6[%add3A_153, %dma_start3A_154] : memref<100x100xi32, #tpu.memory_space<vmem>> -> memref<1x100xi32, #tpu.memory_space<vmem>>
        %dma_start3A_156 = tpu.memref_squeeze %dma_start3A_155 : memref<1x100xi32, #tpu.memory_space<vmem>> -> memref<100xi32, #tpu.memory_space<vmem>>
        %dma_start3A_157 = arith.constant 0 : i32
        %dma_start3A_158 = arith.constant 0 : i32
        %dma_start3A_159 = tpu.memref_slice %arg2[%dma_start3A_157, %dma_start3A_158] : memref<10000x128xf32, #tpu.memory_space<hbm>> -> memref<10000x128xf32, #tpu.memory_space<hbm>>
        tpu.enqueue_indirect_dma source(%dma_start3A_159 : memref<10000x128xf32, #tpu.memory_space<hbm>>) target(%arg8 : memref<100x128xf32, #tpu.memory_space<vmem>>) offsets(%dma_start3A_156 : memref<100xi32, #tpu.memory_space<vmem>>) semaphore(%arg11 : memref<!tpu.dma_semaphore, #tpu.memory_space<semaphore_mem>>)
      } else {
      }
      %add3A_144 = arith.constant 1 : i32
      %add3A_145 = arith.addi %mul3A_125, %add3A_144 : i32
      %dma_wait3A_146 = arith.constant 0 : i32
      %dma_wait3A_147 = tpu.memref_slice %arg6[%add3A_145, %dma_wait3A_146] : memref<100x100xi32, #tpu.memory_space<vmem>> -> memref<1x100xi32, #tpu.memory_space<vmem>>
      %dma_wait3A_148 = tpu.memref_squeeze %dma_wait3A_147 : memref<1x100xi32, #tpu.memory_space<vmem>> -> memref<100xi32, #tpu.memory_space<vmem>>
      %dma_wait3A_149 = arith.constant 0 : i32
      %dma_wait3A_150 = arith.constant 0 : i32
      %dma_wait3A_151 = tpu.memref_slice %arg2[%dma_wait3A_149, %dma_wait3A_150] : memref<10000x128xf32, #tpu.memory_space<hbm>> -> memref<10000x128xf32, #tpu.memory_space<hbm>>
      tpu.wait_indirect_dma semaphore(%arg12 : memref<!tpu.dma_semaphore, #tpu.memory_space<semaphore_mem>>) src(%dma_wait3A_151 : memref<10000x128xf32, #tpu.memory_space<hbm>>) dst(%arg9 : memref<100x128xf32, #tpu.memory_space<vmem>>)
      "tpu.region"() ({
        %run_scoped3A = tpu.sem_alloc : memref<!tpu.dma_semaphore, #tpu.memory_space<semaphore_mem>>
        %dma_start3A_152 = arith.constant 0 : i32
        %dma_start3A_153 = tpu.memref_slice %arg7[%add3A_145, %dma_start3A_152] : memref<100x100xi32, #tpu.memory_space<vmem>> -> memref<1x100xi32, #tpu.memory_space<vmem>>
        %dma_start3A_154 = tpu.memref_squeeze %dma_start3A_153 : memref<1x100xi32, #tpu.memory_space<vmem>> -> memref<100xi32, #tpu.memory_space<vmem>>
        %dma_start3A_155 = arith.constant 0 : i32
        %dma_start3A_156 = arith.constant 0 : i32
        %dma_start3A_157 = tpu.memref_slice %arg10[%dma_start3A_155, %dma_start3A_156] : memref<10000x128xf32, #tpu.memory_space<vmem_shared>> -> memref<10000x128xf32, #tpu.memory_space<vmem_shared>>
        tpu.enqueue_indirect_dma source(%arg9 : memref<100x128xf32, #tpu.memory_space<vmem>>) target(%dma_start3A_157 : memref<10000x128xf32, #tpu.memory_space<vmem_shared>>) offsets(%dma_start3A_154 : memref<100xi32, #tpu.memory_space<vmem>>) semaphore(%run_scoped3A : memref<!tpu.dma_semaphore, #tpu.memory_space<semaphore_mem>>) {add = true}
        %dma_wait3A_158 = arith.constant 0 : i32
        %dma_wait3A_159 = tpu.memref_slice %arg7[%add3A_145, %dma_wait3A_158] : memref<100x100xi32, #tpu.memory_space<vmem>> -> memref<1x100xi32, #tpu.memory_space<vmem>>
        %dma_wait3A_160 = tpu.memref_squeeze %dma_wait3A_159 : memref<1x100xi32, #tpu.memory_space<vmem>> -> memref<100xi32, #tpu.memory_space<vmem>>
        %dma_wait3A_161 = arith.constant 0 : i32
        %dma_wait3A_162 = arith.constant 0 : i32
        %dma_wait3A_163 = tpu.memref_slice %arg10[%dma_wait3A_161, %dma_wait3A_162] : memref<10000x128xf32, #tpu.memory_space<vmem_shared>> -> memref<10000x128xf32, #tpu.memory_space<vmem_shared>>
        tpu.wait_indirect_dma semaphore(%run_scoped3A : memref<!tpu.dma_semaphore, #tpu.memory_space<semaphore_mem>>) src(%arg9 : memref<100x128xf32, #tpu.memory_space<vmem>>) dst(%dma_wait3A_163 : memref<10000x128xf32, #tpu.memory_space<vmem_shared>>)
        tpu.yield
      }) : () -> ()
    }
    %scan3A_121 = arith.constant 50 : i32
    %barrier3A_122 = arith.constant 0 : index
    tpu.barrier barrier_id(%barrier3A_122)
    "tpu.region"() ({
      %run_scoped3A = tpu.sem_alloc : memref<!tpu.dma_semaphore, #tpu.memory_space<semaphore_mem>>
      %dma_start3A_123 = arith.constant 0 : i32
      %dma_start3A_124 = arith.constant 0 : i32
      %dma_start3A_125 = tpu.memref_slice %arg5[%arg0, %dma_start3A_123, %dma_start3A_124] : memref<2x10000x128xf32, #tpu.memory_space<hbm>> -> memref<1x10000x128xf32, #tpu.memory_space<hbm>>
      %dma_start3A_126 = tpu.memref_squeeze %dma_start3A_125 : memref<1x10000x128xf32, #tpu.memory_space<hbm>> -> memref<10000x128xf32, #tpu.memory_space<hbm>>
      %dma_start3A_127 = arith.constant 0 : i32
      %dma_start3A_128 = tpu.memref_slice %dma_start3A_126[%mul3A_2, %dma_start3A_127] : memref<10000x128xf32, #tpu.memory_space<hbm>> -> memref<625x128xf32, #tpu.memory_space<hbm>>
      %dma_start3A_129 = arith.constant 0 : i32
      %dma_start3A_130 = tpu.memref_slice %arg10[%mul3A_2, %dma_start3A_129] : memref<10000x128xf32, #tpu.memory_space<vmem_shared>> -> memref<625x128xf32, #tpu.memory_space<vmem_shared>>
      tpu.enqueue_dma source(%dma_start3A_130 : memref<625x128xf32, #tpu.memory_space<vmem_shared>>) target(%dma_start3A_128 : memref<625x128xf32, #tpu.memory_space<hbm>>) target_semaphore(%run_scoped3A : memref<!tpu.dma_semaphore, #tpu.memory_space<semaphore_mem>>)
      %dma_wait3A_131 = arith.constant 0 : i32
      %dma_wait3A_132 = arith.constant 0 : i32
      %dma_wait3A_133 = tpu.memref_slice %arg5[%arg0, %dma_wait3A_131, %dma_wait3A_132] : memref<2x10000x128xf32, #tpu.memory_space<hbm>> -> memref<1x10000x128xf32, #tpu.memory_space<hbm>>
      %dma_wait3A_134 = tpu.memref_squeeze %dma_wait3A_133 : memref<1x10000x128xf32, #tpu.memory_space<hbm>> -> memref<10000x128xf32, #tpu.memory_space<hbm>>
      %dma_wait3A_135 = arith.constant 0 : i32
      %dma_wait3A_136 = tpu.memref_slice %dma_wait3A_134[%mul3A_2, %dma_wait3A_135] : memref<10000x128xf32, #tpu.memory_space<hbm>> -> memref<625x128xf32, #tpu.memory_space<hbm>>
      %dma_wait3A_137 = arith.constant 0 : i32
      %dma_wait3A_138 = tpu.memref_slice %arg10[%mul3A_2, %dma_wait3A_137] : memref<10000x128xf32, #tpu.memory_space<vmem_shared>> -> memref<625x128xf32, #tpu.memory_space<vmem_shared>>
      tpu.wait_dma2 semaphore(%run_scoped3A : memref<!tpu.dma_semaphore, #tpu.memory_space<semaphore_mem>>) src(%dma_wait3A_138 : memref<625x128xf32, #tpu.memory_space<vmem_shared>>) dst(%dma_wait3A_136 : memref<625x128xf32, #tpu.memory_space<hbm>>)
      tpu.yield
    }) : () -> ()
    return
  }
}

#map = affine_map<(d0, d1) -> (0, 0)>
#map1 = affine_map<(d0, d1) -> (0, 0, 0)>
module attributes {stable_mosaic.version = 14 : i64} {
  func.func @_sc_deg(%arg0: i32, %arg1: i32, %arg2: memref<32x10000xi32, #tpu.memory_space<hbm>>, %arg3: memref<10x32x1000xf32, #tpu.memory_space<hbm>>, %arg4: memref<10000xi32, #tpu.memory_space<vmem>>, %arg5: memref<10000xf32, #tpu.memory_space<vmem>>, %arg6: memref<!tpu.dma_semaphore, #tpu.memory_space<semaphore_mem>>) attributes {dimension_semantics = [#tpu.dimension_semantics<core_parallel>, #tpu.dimension_semantics<subcore_parallel>], iteration_bounds = array<i64: 2, 16>, scalar_prefetch = 0 : i64, scratch_operands = 3 : i64, tpu.core_type = #tpu.core_type<sc_vector_subcore>, window_params = [{transform_indices = #map}, {transform_indices = #map1}]} {
    %mul3A = arith.constant 2 : i32
    %mul3A_0 = arith.muli %arg1, %mul3A : i32
    %add3A = arith.addi %mul3A_0, %arg0 : i32
    "tpu.region"() ({
      %run_scoped3A = tpu.sem_alloc : memref<!tpu.dma_semaphore, #tpu.memory_space<semaphore_mem>>
      %dma_start3A_231 = arith.constant 0 : i32
      %dma_start3A_232 = tpu.memref_slice %arg2[%add3A, %dma_start3A_231] : memref<32x10000xi32, #tpu.memory_space<hbm>> -> memref<1x10000xi32, #tpu.memory_space<hbm>>
      %dma_start3A_233 = tpu.memref_squeeze %dma_start3A_232 : memref<1x10000xi32, #tpu.memory_space<hbm>> -> memref<10000xi32, #tpu.memory_space<hbm>>
      %dma_start3A_234 = arith.constant 0 : i32
      %dma_start3A_235 = tpu.memref_slice %arg2[%add3A, %dma_start3A_234] : memref<32x10000xi32, #tpu.memory_space<hbm>> -> memref<1x10000xi32, #tpu.memory_space<hbm>>
      %dma_start3A_236 = tpu.memref_squeeze %dma_start3A_235 : memref<1x10000xi32, #tpu.memory_space<hbm>> -> memref<10000xi32, #tpu.memory_space<hbm>>
      tpu.enqueue_dma source(%dma_start3A_236 : memref<10000xi32, #tpu.memory_space<hbm>>) target(%arg4 : memref<10000xi32, #tpu.memory_space<vmem>>) target_semaphore(%run_scoped3A : memref<!tpu.dma_semaphore, #tpu.memory_space<semaphore_mem>>)
      %dma_wait3A_237 = arith.constant 0 : i32
      %dma_wait3A_238 = tpu.memref_slice %arg2[%add3A, %dma_wait3A_237] : memref<32x10000xi32, #tpu.memory_space<hbm>> -> memref<1x10000xi32, #tpu.memory_space<hbm>>
      %dma_wait3A_239 = tpu.memref_squeeze %dma_wait3A_238 : memref<1x10000xi32, #tpu.memory_space<hbm>> -> memref<10000xi32, #tpu.memory_space<hbm>>
      %dma_wait3A_240 = arith.constant 0 : i32
      %dma_wait3A_241 = tpu.memref_slice %arg2[%add3A, %dma_wait3A_240] : memref<32x10000xi32, #tpu.memory_space<hbm>> -> memref<1x10000xi32, #tpu.memory_space<hbm>>
      %dma_wait3A_242 = tpu.memref_squeeze %dma_wait3A_241 : memref<1x10000xi32, #tpu.memory_space<hbm>> -> memref<10000xi32, #tpu.memory_space<hbm>>
      tpu.wait_dma2 semaphore(%run_scoped3A : memref<!tpu.dma_semaphore, #tpu.memory_space<semaphore_mem>>) src(%dma_wait3A_242 : memref<10000xi32, #tpu.memory_space<hbm>>) dst(%arg4 : memref<10000xi32, #tpu.memory_space<vmem>>)
      tpu.yield
    }) : () -> ()
    %scan3A = arith.constant 0 : i32
    %scan3A_1 = arith.constant 0 : i32
    %scan3A_2 = arith.constant 625 : i32
    %scan3A_3 = arith.addi %scan3A_1, %scan3A_2 : i32
    %scan3A_4 = arith.constant 1 : i32
    scf.for %scan3A_231 = %scan3A_1 to %scan3A_3 step %scan3A_4  : i32 {
      %broadcast_in_dim3A_232 = arith.constant 0.000000e+00 : f32
      %broadcast_in_dim3A_233 = vector.broadcast %broadcast_in_dim3A_232 : f32 to vector<16xf32>
      %mul3A_234 = arith.constant 16 : i32
      %mul3A_235 = arith.muli %scan3A_231, %mul3A_234 : i32
      %swap3A = arith.index_cast %mul3A_235 : i32 to index
      %swap3A_236 = tpu.vector_load %arg5[%swap3A] {strides = array<i32>} : memref<10000xf32, #tpu.memory_space<vmem>>, vector<16xf32>,
      tpu.vector_store %arg5[%swap3A], %broadcast_in_dim3A_233 {strides = array<i32>} : memref<10000xf32, #tpu.memory_space<vmem>>, vector<16xf32>,
    }
    %scan3A_5 = arith.constant 625 : i32
    %broadcast_in_dim3A = arith.constant 1.000000e+00 : f32
    %broadcast_in_dim3A_6 = vector.broadcast %broadcast_in_dim3A : f32 to vector<16xf32>
    %scan3A_7 = arith.constant 0 : i32
    %scan3A_8 = arith.constant 0 : i32
    %scan3A_9 = arith.constant 625 : i32
    %scan3A_10 = arith.addi %scan3A_8, %scan3A_9 : i32
    %scan3A_11 = arith.constant 1 : i32
    scf.for %scan3A_231 = %scan3A_8 to %scan3A_10 step %scan3A_11  : i32 {
      %mul3A_232 = arith.constant 16 : i32
      %mul3A_233 = arith.muli %scan3A_231, %mul3A_232 : i32
      %get3A = arith.index_cast %mul3A_233 : i32 to index
      %get3A_234 = tpu.vector_load %arg4[%get3A] {strides = array<i32>} : memref<10000xi32, #tpu.memory_space<vmem>>, vector<16xi32>,
      tpu.vector_store_idx %arg5[%get3A_234], %broadcast_in_dim3A_6 {add = true} : memref<10000xf32, #tpu.memory_space<vmem>>[vector<16xi32>], vector<16xf32>,
    }
    %scan3A_12 = arith.constant 625 : i32
    %dma_start3A = arith.constant 0 : i32
    %dma_start3A_13 = arith.constant 0 : i32
    %dma_start3A_14 = tpu.memref_slice %arg5[%dma_start3A_13] : memref<10000xf32, #tpu.memory_space<vmem>> -> memref<1000xf32, #tpu.memory_space<vmem>>
    %dma_start3A_15 = arith.constant 0 : i32
    %dma_start3A_16 = tpu.memref_slice %arg3[%dma_start3A, %add3A, %dma_start3A_15] : memref<10x32x1000xf32, #tpu.memory_space<hbm>> -> memref<1x1x1000xf32, #tpu.memory_space<hbm>>
    %dma_start3A_17 = tpu.memref_squeeze %dma_start3A_16 : memref<1x1x1000xf32, #tpu.memory_space<hbm>> -> memref<1000xf32, #tpu.memory_space<hbm>>
    %dma_start3A_18 = arith.constant 0 : i32
    %dma_start3A_19 = tpu.memref_slice %arg3[%dma_start3A, %add3A, %dma_start3A_18] : memref<10x32x1000xf32, #tpu.memory_space<hbm>> -> memref<1x1x1000xf32, #tpu.memory_space<hbm>>
    %dma_start3A_20 = tpu.memref_squeeze %dma_start3A_19 : memref<1x1x1000xf32, #tpu.memory_space<hbm>> -> memref<1000xf32, #tpu.memory_space<hbm>>
    %dma_start3A_21 = arith.constant 0 : i32
    %dma_start3A_22 = tpu.memref_slice %arg5[%dma_start3A_21] : memref<10000xf32, #tpu.memory_space<vmem>> -> memref<1000xf32, #tpu.memory_space<vmem>>
    tpu.enqueue_dma source(%dma_start3A_22 : memref<1000xf32, #tpu.memory_space<vmem>>) target(%dma_start3A_20 : memref<1000xf32, #tpu.memory_space<hbm>>) target_semaphore(%arg6 : memref<!tpu.dma_semaphore, #tpu.memory_space<semaphore_mem>>)
    %dma_start3A_23 = arith.constant 1 : i32
    %dma_start3A_24 = arith.constant 1000 : i32
    %dma_start3A_25 = tpu.memref_slice %arg5[%dma_start3A_24] : memref<10000xf32, #tpu.memory_space<vmem>> -> memref<1000xf32, #tpu.memory_space<vmem>>
    %dma_start3A_26 = arith.constant 0 : i32
    %dma_start3A_27 = tpu.memref_slice %arg3[%dma_start3A_23, %add3A, %dma_start3A_26] : memref<10x32x1000xf32, #tpu.memory_space<hbm>> -> memref<1x1x1000xf32, #tpu.memory_space<hbm>>
    %dma_start3A_28 = tpu.memref_squeeze %dma_start3A_27 : memref<1x1x1000xf32, #tpu.memory_space<hbm>> -> memref<1000xf32, #tpu.memory_space<hbm>>
    %dma_start3A_29 = arith.constant 0 : i32
    %dma_start3A_30 = tpu.memref_slice %arg3[%dma_start3A_23, %add3A, %dma_start3A_29] : memref<10x32x1000xf32, #tpu.memory_space<hbm>> -> memref<1x1x1000xf32, #tpu.memory_space<hbm>>
    %dma_start3A_31 = tpu.memref_squeeze %dma_start3A_30 : memref<1x1x1000xf32, #tpu.memory_space<hbm>> -> memref<1000xf32, #tpu.memory_space<hbm>>
    %dma_start3A_32 = arith.constant 1000 : i32
    %dma_start3A_33 = tpu.memref_slice %arg5[%dma_start3A_32] : memref<10000xf32, #tpu.memory_space<vmem>> -> memref<1000xf32, #tpu.memory_space<vmem>>
    tpu.enqueue_dma source(%dma_start3A_33 : memref<1000xf32, #tpu.memory_space<vmem>>) target(%dma_start3A_31 : memref<1000xf32, #tpu.memory_space<hbm>>) target_semaphore(%arg6 : memref<!tpu.dma_semaphore, #tpu.memory_space<semaphore_mem>>)
    %dma_start3A_34 = arith.constant 2 : i32
    %dma_start3A_35 = arith.constant 2000 : i32
    %dma_start3A_36 = tpu.memref_slice %arg5[%dma_start3A_35] : memref<10000xf32, #tpu.memory_space<vmem>> -> memref<1000xf32, #tpu.memory_space<vmem>>
    %dma_start3A_37 = arith.constant 0 : i32
    %dma_start3A_38 = tpu.memref_slice %arg3[%dma_start3A_34, %add3A, %dma_start3A_37] : memref<10x32x1000xf32, #tpu.memory_space<hbm>> -> memref<1x1x1000xf32, #tpu.memory_space<hbm>>
    %dma_start3A_39 = tpu.memref_squeeze %dma_start3A_38 : memref<1x1x1000xf32, #tpu.memory_space<hbm>> -> memref<1000xf32, #tpu.memory_space<hbm>>
    %dma_start3A_40 = arith.constant 0 : i32
    %dma_start3A_41 = tpu.memref_slice %arg3[%dma_start3A_34, %add3A, %dma_start3A_40] : memref<10x32x1000xf32, #tpu.memory_space<hbm>> -> memref<1x1x1000xf32, #tpu.memory_space<hbm>>
    %dma_start3A_42 = tpu.memref_squeeze %dma_start3A_41 : memref<1x1x1000xf32, #tpu.memory_space<hbm>> -> memref<1000xf32, #tpu.memory_space<hbm>>
    %dma_start3A_43 = arith.constant 2000 : i32
    %dma_start3A_44 = tpu.memref_slice %arg5[%dma_start3A_43] : memref<10000xf32, #tpu.memory_space<vmem>> -> memref<1000xf32, #tpu.memory_space<vmem>>
    tpu.enqueue_dma source(%dma_start3A_44 : memref<1000xf32, #tpu.memory_space<vmem>>) target(%dma_start3A_42 : memref<1000xf32, #tpu.memory_space<hbm>>) target_semaphore(%arg6 : memref<!tpu.dma_semaphore, #tpu.memory_space<semaphore_mem>>)
    %dma_start3A_45 = arith.constant 3 : i32
    %dma_start3A_46 = arith.constant 3000 : i32
    %dma_start3A_47 = tpu.memref_slice %arg5[%dma_start3A_46] : memref<10000xf32, #tpu.memory_space<vmem>> -> memref<1000xf32, #tpu.memory_space<vmem>>
    %dma_start3A_48 = arith.constant 0 : i32
    %dma_start3A_49 = tpu.memref_slice %arg3[%dma_start3A_45, %add3A, %dma_start3A_48] : memref<10x32x1000xf32, #tpu.memory_space<hbm>> -> memref<1x1x1000xf32, #tpu.memory_space<hbm>>
    %dma_start3A_50 = tpu.memref_squeeze %dma_start3A_49 : memref<1x1x1000xf32, #tpu.memory_space<hbm>> -> memref<1000xf32, #tpu.memory_space<hbm>>
    %dma_start3A_51 = arith.constant 0 : i32
    %dma_start3A_52 = tpu.memref_slice %arg3[%dma_start3A_45, %add3A, %dma_start3A_51] : memref<10x32x1000xf32, #tpu.memory_space<hbm>> -> memref<1x1x1000xf32, #tpu.memory_space<hbm>>
    %dma_start3A_53 = tpu.memref_squeeze %dma_start3A_52 : memref<1x1x1000xf32, #tpu.memory_space<hbm>> -> memref<1000xf32, #tpu.memory_space<hbm>>
    %dma_start3A_54 = arith.constant 3000 : i32
    %dma_start3A_55 = tpu.memref_slice %arg5[%dma_start3A_54] : memref<10000xf32, #tpu.memory_space<vmem>> -> memref<1000xf32, #tpu.memory_space<vmem>>
    tpu.enqueue_dma source(%dma_start3A_55 : memref<1000xf32, #tpu.memory_space<vmem>>) target(%dma_start3A_53 : memref<1000xf32, #tpu.memory_space<hbm>>) target_semaphore(%arg6 : memref<!tpu.dma_semaphore, #tpu.memory_space<semaphore_mem>>)
    %dma_start3A_56 = arith.constant 4 : i32
    %dma_start3A_57 = arith.constant 4000 : i32
    %dma_start3A_58 = tpu.memref_slice %arg5[%dma_start3A_57] : memref<10000xf32, #tpu.memory_space<vmem>> -> memref<1000xf32, #tpu.memory_space<vmem>>
    %dma_start3A_59 = arith.constant 0 : i32
    %dma_start3A_60 = tpu.memref_slice %arg3[%dma_start3A_56, %add3A, %dma_start3A_59] : memref<10x32x1000xf32, #tpu.memory_space<hbm>> -> memref<1x1x1000xf32, #tpu.memory_space<hbm>>
    %dma_start3A_61 = tpu.memref_squeeze %dma_start3A_60 : memref<1x1x1000xf32, #tpu.memory_space<hbm>> -> memref<1000xf32, #tpu.memory_space<hbm>>
    %dma_start3A_62 = arith.constant 0 : i32
    %dma_start3A_63 = tpu.memref_slice %arg3[%dma_start3A_56, %add3A, %dma_start3A_62] : memref<10x32x1000xf32, #tpu.memory_space<hbm>> -> memref<1x1x1000xf32, #tpu.memory_space<hbm>>
    %dma_start3A_64 = tpu.memref_squeeze %dma_start3A_63 : memref<1x1x1000xf32, #tpu.memory_space<hbm>> -> memref<1000xf32, #tpu.memory_space<hbm>>
    %dma_start3A_65 = arith.constant 4000 : i32
    %dma_start3A_66 = tpu.memref_slice %arg5[%dma_start3A_65] : memref<10000xf32, #tpu.memory_space<vmem>> -> memref<1000xf32, #tpu.memory_space<vmem>>
    tpu.enqueue_dma source(%dma_start3A_66 : memref<1000xf32, #tpu.memory_space<vmem>>) target(%dma_start3A_64 : memref<1000xf32, #tpu.memory_space<hbm>>) target_semaphore(%arg6 : memref<!tpu.dma_semaphore, #tpu.memory_space<semaphore_mem>>)
    %dma_start3A_67 = arith.constant 5 : i32
    %dma_start3A_68 = arith.constant 5000 : i32
    %dma_start3A_69 = tpu.memref_slice %arg5[%dma_start3A_68] : memref<10000xf32, #tpu.memory_space<vmem>> -> memref<1000xf32, #tpu.memory_space<vmem>>
    %dma_start3A_70 = arith.constant 0 : i32
    %dma_start3A_71 = tpu.memref_slice %arg3[%dma_start3A_67, %add3A, %dma_start3A_70] : memref<10x32x1000xf32, #tpu.memory_space<hbm>> -> memref<1x1x1000xf32, #tpu.memory_space<hbm>>
    %dma_start3A_72 = tpu.memref_squeeze %dma_start3A_71 : memref<1x1x1000xf32, #tpu.memory_space<hbm>> -> memref<1000xf32, #tpu.memory_space<hbm>>
    %dma_start3A_73 = arith.constant 0 : i32
    %dma_start3A_74 = tpu.memref_slice %arg3[%dma_start3A_67, %add3A, %dma_start3A_73] : memref<10x32x1000xf32, #tpu.memory_space<hbm>> -> memref<1x1x1000xf32, #tpu.memory_space<hbm>>
    %dma_start3A_75 = tpu.memref_squeeze %dma_start3A_74 : memref<1x1x1000xf32, #tpu.memory_space<hbm>> -> memref<1000xf32, #tpu.memory_space<hbm>>
    %dma_start3A_76 = arith.constant 5000 : i32
    %dma_start3A_77 = tpu.memref_slice %arg5[%dma_start3A_76] : memref<10000xf32, #tpu.memory_space<vmem>> -> memref<1000xf32, #tpu.memory_space<vmem>>
    tpu.enqueue_dma source(%dma_start3A_77 : memref<1000xf32, #tpu.memory_space<vmem>>) target(%dma_start3A_75 : memref<1000xf32, #tpu.memory_space<hbm>>) target_semaphore(%arg6 : memref<!tpu.dma_semaphore, #tpu.memory_space<semaphore_mem>>)
    %dma_start3A_78 = arith.constant 6 : i32
    %dma_start3A_79 = arith.constant 6000 : i32
    %dma_start3A_80 = tpu.memref_slice %arg5[%dma_start3A_79] : memref<10000xf32, #tpu.memory_space<vmem>> -> memref<1000xf32, #tpu.memory_space<vmem>>
    %dma_start3A_81 = arith.constant 0 : i32
    %dma_start3A_82 = tpu.memref_slice %arg3[%dma_start3A_78, %add3A, %dma_start3A_81] : memref<10x32x1000xf32, #tpu.memory_space<hbm>> -> memref<1x1x1000xf32, #tpu.memory_space<hbm>>
    %dma_start3A_83 = tpu.memref_squeeze %dma_start3A_82 : memref<1x1x1000xf32, #tpu.memory_space<hbm>> -> memref<1000xf32, #tpu.memory_space<hbm>>
    %dma_start3A_84 = arith.constant 0 : i32
    %dma_start3A_85 = tpu.memref_slice %arg3[%dma_start3A_78, %add3A, %dma_start3A_84] : memref<10x32x1000xf32, #tpu.memory_space<hbm>> -> memref<1x1x1000xf32, #tpu.memory_space<hbm>>
    %dma_start3A_86 = tpu.memref_squeeze %dma_start3A_85 : memref<1x1x1000xf32, #tpu.memory_space<hbm>> -> memref<1000xf32, #tpu.memory_space<hbm>>
    %dma_start3A_87 = arith.constant 6000 : i32
    %dma_start3A_88 = tpu.memref_slice %arg5[%dma_start3A_87] : memref<10000xf32, #tpu.memory_space<vmem>> -> memref<1000xf32, #tpu.memory_space<vmem>>
    tpu.enqueue_dma source(%dma_start3A_88 : memref<1000xf32, #tpu.memory_space<vmem>>) target(%dma_start3A_86 : memref<1000xf32, #tpu.memory_space<hbm>>) target_semaphore(%arg6 : memref<!tpu.dma_semaphore, #tpu.memory_space<semaphore_mem>>)
    %dma_start3A_89 = arith.constant 7 : i32
    %dma_start3A_90 = arith.constant 7000 : i32
    %dma_start3A_91 = tpu.memref_slice %arg5[%dma_start3A_90] : memref<10000xf32, #tpu.memory_space<vmem>> -> memref<1000xf32, #tpu.memory_space<vmem>>
    %dma_start3A_92 = arith.constant 0 : i32
    %dma_start3A_93 = tpu.memref_slice %arg3[%dma_start3A_89, %add3A, %dma_start3A_92] : memref<10x32x1000xf32, #tpu.memory_space<hbm>> -> memref<1x1x1000xf32, #tpu.memory_space<hbm>>
    %dma_start3A_94 = tpu.memref_squeeze %dma_start3A_93 : memref<1x1x1000xf32, #tpu.memory_space<hbm>> -> memref<1000xf32, #tpu.memory_space<hbm>>
    %dma_start3A_95 = arith.constant 0 : i32
    %dma_start3A_96 = tpu.memref_slice %arg3[%dma_start3A_89, %add3A, %dma_start3A_95] : memref<10x32x1000xf32, #tpu.memory_space<hbm>> -> memref<1x1x1000xf32, #tpu.memory_space<hbm>>
    %dma_start3A_97 = tpu.memref_squeeze %dma_start3A_96 : memref<1x1x1000xf32, #tpu.memory_space<hbm>> -> memref<1000xf32, #tpu.memory_space<hbm>>
    %dma_start3A_98 = arith.constant 7000 : i32
    %dma_start3A_99 = tpu.memref_slice %arg5[%dma_start3A_98] : memref<10000xf32, #tpu.memory_space<vmem>> -> memref<1000xf32, #tpu.memory_space<vmem>>
    tpu.enqueue_dma source(%dma_start3A_99 : memref<1000xf32, #tpu.memory_space<vmem>>) target(%dma_start3A_97 : memref<1000xf32, #tpu.memory_space<hbm>>) target_semaphore(%arg6 : memref<!tpu.dma_semaphore, #tpu.memory_space<semaphore_mem>>)
    %dma_start3A_100 = arith.constant 8 : i32
    %dma_start3A_101 = arith.constant 8000 : i32
    %dma_start3A_102 = tpu.memref_slice %arg5[%dma_start3A_101] : memref<10000xf32, #tpu.memory_space<vmem>> -> memref<1000xf32, #tpu.memory_space<vmem>>
    %dma_start3A_103 = arith.constant 0 : i32
    %dma_start3A_104 = tpu.memref_slice %arg3[%dma_start3A_100, %add3A, %dma_start3A_103] : memref<10x32x1000xf32, #tpu.memory_space<hbm>> -> memref<1x1x1000xf32, #tpu.memory_space<hbm>>
    %dma_start3A_105 = tpu.memref_squeeze %dma_start3A_104 : memref<1x1x1000xf32, #tpu.memory_space<hbm>> -> memref<1000xf32, #tpu.memory_space<hbm>>
    %dma_start3A_106 = arith.constant 0 : i32
    %dma_start3A_107 = tpu.memref_slice %arg3[%dma_start3A_100, %add3A, %dma_start3A_106] : memref<10x32x1000xf32, #tpu.memory_space<hbm>> -> memref<1x1x1000xf32, #tpu.memory_space<hbm>>
    %dma_start3A_108 = tpu.memref_squeeze %dma_start3A_107 : memref<1x1x1000xf32, #tpu.memory_space<hbm>> -> memref<1000xf32, #tpu.memory_space<hbm>>
    %dma_start3A_109 = arith.constant 8000 : i32
    %dma_start3A_110 = tpu.memref_slice %arg5[%dma_start3A_109] : memref<10000xf32, #tpu.memory_space<vmem>> -> memref<1000xf32, #tpu.memory_space<vmem>>
    tpu.enqueue_dma source(%dma_start3A_110 : memref<1000xf32, #tpu.memory_space<vmem>>) target(%dma_start3A_108 : memref<1000xf32, #tpu.memory_space<hbm>>) target_semaphore(%arg6 : memref<!tpu.dma_semaphore, #tpu.memory_space<semaphore_mem>>)
    %dma_start3A_111 = arith.constant 9 : i32
    %dma_start3A_112 = arith.constant 9000 : i32
    %dma_start3A_113 = tpu.memref_slice %arg5[%dma_start3A_112] : memref<10000xf32, #tpu.memory_space<vmem>> -> memref<1000xf32, #tpu.memory_space<vmem>>
    %dma_start3A_114 = arith.constant 0 : i32
    %dma_start3A_115 = tpu.memref_slice %arg3[%dma_start3A_111, %add3A, %dma_start3A_114] : memref<10x32x1000xf32, #tpu.memory_space<hbm>> -> memref<1x1x1000xf32, #tpu.memory_space<hbm>>
    %dma_start3A_116 = tpu.memref_squeeze %dma_start3A_115 : memref<1x1x1000xf32, #tpu.memory_space<hbm>> -> memref<1000xf32, #tpu.memory_space<hbm>>
    %dma_start3A_117 = arith.constant 0 : i32
    %dma_start3A_118 = tpu.memref_slice %arg3[%dma_start3A_111, %add3A, %dma_start3A_117] : memref<10x32x1000xf32, #tpu.memory_space<hbm>> -> memref<1x1x1000xf32, #tpu.memory_space<hbm>>
    %dma_start3A_119 = tpu.memref_squeeze %dma_start3A_118 : memref<1x1x1000xf32, #tpu.memory_space<hbm>> -> memref<1000xf32, #tpu.memory_space<hbm>>
    %dma_start3A_120 = arith.constant 9000 : i32
    %dma_start3A_121 = tpu.memref_slice %arg5[%dma_start3A_120] : memref<10000xf32, #tpu.memory_space<vmem>> -> memref<1000xf32, #tpu.memory_space<vmem>>
    tpu.enqueue_dma source(%dma_start3A_121 : memref<1000xf32, #tpu.memory_space<vmem>>) target(%dma_start3A_119 : memref<1000xf32, #tpu.memory_space<hbm>>) target_semaphore(%arg6 : memref<!tpu.dma_semaphore, #tpu.memory_space<semaphore_mem>>)
    %dma_wait3A = arith.constant 0 : i32
    %dma_wait3A_122 = arith.constant 0 : i32
    %dma_wait3A_123 = tpu.memref_slice %arg5[%dma_wait3A_122] : memref<10000xf32, #tpu.memory_space<vmem>> -> memref<1000xf32, #tpu.memory_space<vmem>>
    %dma_wait3A_124 = arith.constant 0 : i32
    %dma_wait3A_125 = tpu.memref_slice %arg3[%dma_wait3A, %add3A, %dma_wait3A_124] : memref<10x32x1000xf32, #tpu.memory_space<hbm>> -> memref<1x1x1000xf32, #tpu.memory_space<hbm>>
    %dma_wait3A_126 = tpu.memref_squeeze %dma_wait3A_125 : memref<1x1x1000xf32, #tpu.memory_space<hbm>> -> memref<1000xf32, #tpu.memory_space<hbm>>
    %dma_wait3A_127 = arith.constant 0 : i32
    %dma_wait3A_128 = tpu.memref_slice %arg3[%dma_wait3A, %add3A, %dma_wait3A_127] : memref<10x32x1000xf32, #tpu.memory_space<hbm>> -> memref<1x1x1000xf32, #tpu.memory_space<hbm>>
    %dma_wait3A_129 = tpu.memref_squeeze %dma_wait3A_128 : memref<1x1x1000xf32, #tpu.memory_space<hbm>> -> memref<1000xf32, #tpu.memory_space<hbm>>
    %dma_wait3A_130 = arith.constant 0 : i32
    %dma_wait3A_131 = tpu.memref_slice %arg5[%dma_wait3A_130] : memref<10000xf32, #tpu.memory_space<vmem>> -> memref<1000xf32, #tpu.memory_space<vmem>>
    tpu.wait_dma2 semaphore(%arg6 : memref<!tpu.dma_semaphore, #tpu.memory_space<semaphore_mem>>) src(%dma_wait3A_131 : memref<1000xf32, #tpu.memory_space<vmem>>) dst(%dma_wait3A_129 : memref<1000xf32, #tpu.memory_space<hbm>>)
    %dma_wait3A_132 = arith.constant 1 : i32
    %dma_wait3A_133 = arith.constant 1000 : i32
    %dma_wait3A_134 = tpu.memref_slice %arg5[%dma_wait3A_133] : memref<10000xf32, #tpu.memory_space<vmem>> -> memref<1000xf32, #tpu.memory_space<vmem>>
    %dma_wait3A_135 = arith.constant 0 : i32
    %dma_wait3A_136 = tpu.memref_slice %arg3[%dma_wait3A_132, %add3A, %dma_wait3A_135] : memref<10x32x1000xf32, #tpu.memory_space<hbm>> -> memref<1x1x1000xf32, #tpu.memory_space<hbm>>
    %dma_wait3A_137 = tpu.memref_squeeze %dma_wait3A_136 : memref<1x1x1000xf32, #tpu.memory_space<hbm>> -> memref<1000xf32, #tpu.memory_space<hbm>>
    %dma_wait3A_138 = arith.constant 0 : i32
    %dma_wait3A_139 = tpu.memref_slice %arg3[%dma_wait3A_132, %add3A, %dma_wait3A_138] : memref<10x32x1000xf32, #tpu.memory_space<hbm>> -> memref<1x1x1000xf32, #tpu.memory_space<hbm>>
    %dma_wait3A_140 = tpu.memref_squeeze %dma_wait3A_139 : memref<1x1x1000xf32, #tpu.memory_space<hbm>> -> memref<1000xf32, #tpu.memory_space<hbm>>
    %dma_wait3A_141 = arith.constant 1000 : i32
    %dma_wait3A_142 = tpu.memref_slice %arg5[%dma_wait3A_141] : memref<10000xf32, #tpu.memory_space<vmem>> -> memref<1000xf32, #tpu.memory_space<vmem>>
    tpu.wait_dma2 semaphore(%arg6 : memref<!tpu.dma_semaphore, #tpu.memory_space<semaphore_mem>>) src(%dma_wait3A_142 : memref<1000xf32, #tpu.memory_space<vmem>>) dst(%dma_wait3A_140 : memref<1000xf32, #tpu.memory_space<hbm>>)
    %dma_wait3A_143 = arith.constant 2 : i32
    %dma_wait3A_144 = arith.constant 2000 : i32
    %dma_wait3A_145 = tpu.memref_slice %arg5[%dma_wait3A_144] : memref<10000xf32, #tpu.memory_space<vmem>> -> memref<1000xf32, #tpu.memory_space<vmem>>
    %dma_wait3A_146 = arith.constant 0 : i32
    %dma_wait3A_147 = tpu.memref_slice %arg3[%dma_wait3A_143, %add3A, %dma_wait3A_146] : memref<10x32x1000xf32, #tpu.memory_space<hbm>> -> memref<1x1x1000xf32, #tpu.memory_space<hbm>>
    %dma_wait3A_148 = tpu.memref_squeeze %dma_wait3A_147 : memref<1x1x1000xf32, #tpu.memory_space<hbm>> -> memref<1000xf32, #tpu.memory_space<hbm>>
    %dma_wait3A_149 = arith.constant 0 : i32
    %dma_wait3A_150 = tpu.memref_slice %arg3[%dma_wait3A_143, %add3A, %dma_wait3A_149] : memref<10x32x1000xf32, #tpu.memory_space<hbm>> -> memref<1x1x1000xf32, #tpu.memory_space<hbm>>
    %dma_wait3A_151 = tpu.memref_squeeze %dma_wait3A_150 : memref<1x1x1000xf32, #tpu.memory_space<hbm>> -> memref<1000xf32, #tpu.memory_space<hbm>>
    %dma_wait3A_152 = arith.constant 2000 : i32
    %dma_wait3A_153 = tpu.memref_slice %arg5[%dma_wait3A_152] : memref<10000xf32, #tpu.memory_space<vmem>> -> memref<1000xf32, #tpu.memory_space<vmem>>
    tpu.wait_dma2 semaphore(%arg6 : memref<!tpu.dma_semaphore, #tpu.memory_space<semaphore_mem>>) src(%dma_wait3A_153 : memref<1000xf32, #tpu.memory_space<vmem>>) dst(%dma_wait3A_151 : memref<1000xf32, #tpu.memory_space<hbm>>)
    %dma_wait3A_154 = arith.constant 3 : i32
    %dma_wait3A_155 = arith.constant 3000 : i32
    %dma_wait3A_156 = tpu.memref_slice %arg5[%dma_wait3A_155] : memref<10000xf32, #tpu.memory_space<vmem>> -> memref<1000xf32, #tpu.memory_space<vmem>>
    %dma_wait3A_157 = arith.constant 0 : i32
    %dma_wait3A_158 = tpu.memref_slice %arg3[%dma_wait3A_154, %add3A, %dma_wait3A_157] : memref<10x32x1000xf32, #tpu.memory_space<hbm>> -> memref<1x1x1000xf32, #tpu.memory_space<hbm>>
    %dma_wait3A_159 = tpu.memref_squeeze %dma_wait3A_158 : memref<1x1x1000xf32, #tpu.memory_space<hbm>> -> memref<1000xf32, #tpu.memory_space<hbm>>
    %dma_wait3A_160 = arith.constant 0 : i32
    %dma_wait3A_161 = tpu.memref_slice %arg3[%dma_wait3A_154, %add3A, %dma_wait3A_160] : memref<10x32x1000xf32, #tpu.memory_space<hbm>> -> memref<1x1x1000xf32, #tpu.memory_space<hbm>>
    %dma_wait3A_162 = tpu.memref_squeeze %dma_wait3A_161 : memref<1x1x1000xf32, #tpu.memory_space<hbm>> -> memref<1000xf32, #tpu.memory_space<hbm>>
    %dma_wait3A_163 = arith.constant 3000 : i32
    %dma_wait3A_164 = tpu.memref_slice %arg5[%dma_wait3A_163] : memref<10000xf32, #tpu.memory_space<vmem>> -> memref<1000xf32, #tpu.memory_space<vmem>>
    tpu.wait_dma2 semaphore(%arg6 : memref<!tpu.dma_semaphore, #tpu.memory_space<semaphore_mem>>) src(%dma_wait3A_164 : memref<1000xf32, #tpu.memory_space<vmem>>) dst(%dma_wait3A_162 : memref<1000xf32, #tpu.memory_space<hbm>>)
    %dma_wait3A_165 = arith.constant 4 : i32
    %dma_wait3A_166 = arith.constant 4000 : i32
    %dma_wait3A_167 = tpu.memref_slice %arg5[%dma_wait3A_166] : memref<10000xf32, #tpu.memory_space<vmem>> -> memref<1000xf32, #tpu.memory_space<vmem>>
    %dma_wait3A_168 = arith.constant 0 : i32
    %dma_wait3A_169 = tpu.memref_slice %arg3[%dma_wait3A_165, %add3A, %dma_wait3A_168] : memref<10x32x1000xf32, #tpu.memory_space<hbm>> -> memref<1x1x1000xf32, #tpu.memory_space<hbm>>
    %dma_wait3A_170 = tpu.memref_squeeze %dma_wait3A_169 : memref<1x1x1000xf32, #tpu.memory_space<hbm>> -> memref<1000xf32, #tpu.memory_space<hbm>>
    %dma_wait3A_171 = arith.constant 0 : i32
    %dma_wait3A_172 = tpu.memref_slice %arg3[%dma_wait3A_165, %add3A, %dma_wait3A_171] : memref<10x32x1000xf32, #tpu.memory_space<hbm>> -> memref<1x1x1000xf32, #tpu.memory_space<hbm>>
    %dma_wait3A_173 = tpu.memref_squeeze %dma_wait3A_172 : memref<1x1x1000xf32, #tpu.memory_space<hbm>> -> memref<1000xf32, #tpu.memory_space<hbm>>
    %dma_wait3A_174 = arith.constant 4000 : i32
    %dma_wait3A_175 = tpu.memref_slice %arg5[%dma_wait3A_174] : memref<10000xf32, #tpu.memory_space<vmem>> -> memref<1000xf32, #tpu.memory_space<vmem>>
    tpu.wait_dma2 semaphore(%arg6 : memref<!tpu.dma_semaphore, #tpu.memory_space<semaphore_mem>>) src(%dma_wait3A_175 : memref<1000xf32, #tpu.memory_space<vmem>>) dst(%dma_wait3A_173 : memref<1000xf32, #tpu.memory_space<hbm>>)
    %dma_wait3A_176 = arith.constant 5 : i32
    %dma_wait3A_177 = arith.constant 5000 : i32
    %dma_wait3A_178 = tpu.memref_slice %arg5[%dma_wait3A_177] : memref<10000xf32, #tpu.memory_space<vmem>> -> memref<1000xf32, #tpu.memory_space<vmem>>
    %dma_wait3A_179 = arith.constant 0 : i32
    %dma_wait3A_180 = tpu.memref_slice %arg3[%dma_wait3A_176, %add3A, %dma_wait3A_179] : memref<10x32x1000xf32, #tpu.memory_space<hbm>> -> memref<1x1x1000xf32, #tpu.memory_space<hbm>>
    %dma_wait3A_181 = tpu.memref_squeeze %dma_wait3A_180 : memref<1x1x1000xf32, #tpu.memory_space<hbm>> -> memref<1000xf32, #tpu.memory_space<hbm>>
    %dma_wait3A_182 = arith.constant 0 : i32
    %dma_wait3A_183 = tpu.memref_slice %arg3[%dma_wait3A_176, %add3A, %dma_wait3A_182] : memref<10x32x1000xf32, #tpu.memory_space<hbm>> -> memref<1x1x1000xf32, #tpu.memory_space<hbm>>
    %dma_wait3A_184 = tpu.memref_squeeze %dma_wait3A_183 : memref<1x1x1000xf32, #tpu.memory_space<hbm>> -> memref<1000xf32, #tpu.memory_space<hbm>>
    %dma_wait3A_185 = arith.constant 5000 : i32
    %dma_wait3A_186 = tpu.memref_slice %arg5[%dma_wait3A_185] : memref<10000xf32, #tpu.memory_space<vmem>> -> memref<1000xf32, #tpu.memory_space<vmem>>
    tpu.wait_dma2 semaphore(%arg6 : memref<!tpu.dma_semaphore, #tpu.memory_space<semaphore_mem>>) src(%dma_wait3A_186 : memref<1000xf32, #tpu.memory_space<vmem>>) dst(%dma_wait3A_184 : memref<1000xf32, #tpu.memory_space<hbm>>)
    %dma_wait3A_187 = arith.constant 6 : i32
    %dma_wait3A_188 = arith.constant 6000 : i32
    %dma_wait3A_189 = tpu.memref_slice %arg5[%dma_wait3A_188] : memref<10000xf32, #tpu.memory_space<vmem>> -> memref<1000xf32, #tpu.memory_space<vmem>>
    %dma_wait3A_190 = arith.constant 0 : i32
    %dma_wait3A_191 = tpu.memref_slice %arg3[%dma_wait3A_187, %add3A, %dma_wait3A_190] : memref<10x32x1000xf32, #tpu.memory_space<hbm>> -> memref<1x1x1000xf32, #tpu.memory_space<hbm>>
    %dma_wait3A_192 = tpu.memref_squeeze %dma_wait3A_191 : memref<1x1x1000xf32, #tpu.memory_space<hbm>> -> memref<1000xf32, #tpu.memory_space<hbm>>
    %dma_wait3A_193 = arith.constant 0 : i32
    %dma_wait3A_194 = tpu.memref_slice %arg3[%dma_wait3A_187, %add3A, %dma_wait3A_193] : memref<10x32x1000xf32, #tpu.memory_space<hbm>> -> memref<1x1x1000xf32, #tpu.memory_space<hbm>>
    %dma_wait3A_195 = tpu.memref_squeeze %dma_wait3A_194 : memref<1x1x1000xf32, #tpu.memory_space<hbm>> -> memref<1000xf32, #tpu.memory_space<hbm>>
    %dma_wait3A_196 = arith.constant 6000 : i32
    %dma_wait3A_197 = tpu.memref_slice %arg5[%dma_wait3A_196] : memref<10000xf32, #tpu.memory_space<vmem>> -> memref<1000xf32, #tpu.memory_space<vmem>>
    tpu.wait_dma2 semaphore(%arg6 : memref<!tpu.dma_semaphore, #tpu.memory_space<semaphore_mem>>) src(%dma_wait3A_197 : memref<1000xf32, #tpu.memory_space<vmem>>) dst(%dma_wait3A_195 : memref<1000xf32, #tpu.memory_space<hbm>>)
    %dma_wait3A_198 = arith.constant 7 : i32
    %dma_wait3A_199 = arith.constant 7000 : i32
    %dma_wait3A_200 = tpu.memref_slice %arg5[%dma_wait3A_199] : memref<10000xf32, #tpu.memory_space<vmem>> -> memref<1000xf32, #tpu.memory_space<vmem>>
    %dma_wait3A_201 = arith.constant 0 : i32
    %dma_wait3A_202 = tpu.memref_slice %arg3[%dma_wait3A_198, %add3A, %dma_wait3A_201] : memref<10x32x1000xf32, #tpu.memory_space<hbm>> -> memref<1x1x1000xf32, #tpu.memory_space<hbm>>
    %dma_wait3A_203 = tpu.memref_squeeze %dma_wait3A_202 : memref<1x1x1000xf32, #tpu.memory_space<hbm>> -> memref<1000xf32, #tpu.memory_space<hbm>>
    %dma_wait3A_204 = arith.constant 0 : i32
    %dma_wait3A_205 = tpu.memref_slice %arg3[%dma_wait3A_198, %add3A, %dma_wait3A_204] : memref<10x32x1000xf32, #tpu.memory_space<hbm>> -> memref<1x1x1000xf32, #tpu.memory_space<hbm>>
    %dma_wait3A_206 = tpu.memref_squeeze %dma_wait3A_205 : memref<1x1x1000xf32, #tpu.memory_space<hbm>> -> memref<1000xf32, #tpu.memory_space<hbm>>
    %dma_wait3A_207 = arith.constant 7000 : i32
    %dma_wait3A_208 = tpu.memref_slice %arg5[%dma_wait3A_207] : memref<10000xf32, #tpu.memory_space<vmem>> -> memref<1000xf32, #tpu.memory_space<vmem>>
    tpu.wait_dma2 semaphore(%arg6 : memref<!tpu.dma_semaphore, #tpu.memory_space<semaphore_mem>>) src(%dma_wait3A_208 : memref<1000xf32, #tpu.memory_space<vmem>>) dst(%dma_wait3A_206 : memref<1000xf32, #tpu.memory_space<hbm>>)
    %dma_wait3A_209 = arith.constant 8 : i32
    %dma_wait3A_210 = arith.constant 8000 : i32
    %dma_wait3A_211 = tpu.memref_slice %arg5[%dma_wait3A_210] : memref<10000xf32, #tpu.memory_space<vmem>> -> memref<1000xf32, #tpu.memory_space<vmem>>
    %dma_wait3A_212 = arith.constant 0 : i32
    %dma_wait3A_213 = tpu.memref_slice %arg3[%dma_wait3A_209, %add3A, %dma_wait3A_212] : memref<10x32x1000xf32, #tpu.memory_space<hbm>> -> memref<1x1x1000xf32, #tpu.memory_space<hbm>>
    %dma_wait3A_214 = tpu.memref_squeeze %dma_wait3A_213 : memref<1x1x1000xf32, #tpu.memory_space<hbm>> -> memref<1000xf32, #tpu.memory_space<hbm>>
    %dma_wait3A_215 = arith.constant 0 : i32
    %dma_wait3A_216 = tpu.memref_slice %arg3[%dma_wait3A_209, %add3A, %dma_wait3A_215] : memref<10x32x1000xf32, #tpu.memory_space<hbm>> -> memref<1x1x1000xf32, #tpu.memory_space<hbm>>
    %dma_wait3A_217 = tpu.memref_squeeze %dma_wait3A_216 : memref<1x1x1000xf32, #tpu.memory_space<hbm>> -> memref<1000xf32, #tpu.memory_space<hbm>>
    %dma_wait3A_218 = arith.constant 8000 : i32
    %dma_wait3A_219 = tpu.memref_slice %arg5[%dma_wait3A_218] : memref<10000xf32, #tpu.memory_space<vmem>> -> memref<1000xf32, #tpu.memory_space<vmem>>
    tpu.wait_dma2 semaphore(%arg6 : memref<!tpu.dma_semaphore, #tpu.memory_space<semaphore_mem>>) src(%dma_wait3A_219 : memref<1000xf32, #tpu.memory_space<vmem>>) dst(%dma_wait3A_217 : memref<1000xf32, #tpu.memory_space<hbm>>)
    %dma_wait3A_220 = arith.constant 9 : i32
    %dma_wait3A_221 = arith.constant 9000 : i32
    %dma_wait3A_222 = tpu.memref_slice %arg5[%dma_wait3A_221] : memref<10000xf32, #tpu.memory_space<vmem>> -> memref<1000xf32, #tpu.memory_space<vmem>>
    %dma_wait3A_223 = arith.constant 0 : i32
    %dma_wait3A_224 = tpu.memref_slice %arg3[%dma_wait3A_220, %add3A, %dma_wait3A_223] : memref<10x32x1000xf32, #tpu.memory_space<hbm>> -> memref<1x1x1000xf32, #tpu.memory_space<hbm>>
    %dma_wait3A_225 = tpu.memref_squeeze %dma_wait3A_224 : memref<1x1x1000xf32, #tpu.memory_space<hbm>> -> memref<1000xf32, #tpu.memory_space<hbm>>
    %dma_wait3A_226 = arith.constant 0 : i32
    %dma_wait3A_227 = tpu.memref_slice %arg3[%dma_wait3A_220, %add3A, %dma_wait3A_226] : memref<10x32x1000xf32, #tpu.memory_space<hbm>> -> memref<1x1x1000xf32, #tpu.memory_space<hbm>>
    %dma_wait3A_228 = tpu.memref_squeeze %dma_wait3A_227 : memref<1x1x1000xf32, #tpu.memory_space<hbm>> -> memref<1000xf32, #tpu.memory_space<hbm>>
    %dma_wait3A_229 = arith.constant 9000 : i32
    %dma_wait3A_230 = tpu.memref_slice %arg5[%dma_wait3A_229] : memref<10000xf32, #tpu.memory_space<vmem>> -> memref<1000xf32, #tpu.memory_space<vmem>>
    tpu.wait_dma2 semaphore(%arg6 : memref<!tpu.dma_semaphore, #tpu.memory_space<semaphore_mem>>) src(%dma_wait3A_230 : memref<1000xf32, #tpu.memory_space<vmem>>) dst(%dma_wait3A_228 : memref<1000xf32, #tpu.memory_space<hbm>>)
    return
  }
}

module attributes {stable_mosaic.version = 14 : i64} {
  func.func @_combine1_body(%arg0: i32, %arg1: memref<1000x128xf32, #tpu.memory_space<vmem>>, %arg2: memref<2x1000x128xf32, #tpu.memory_space<vmem>>, %arg3: memref<1x32x1000xf32, #tpu.memory_space<vmem>>, %arg4: memref<128x128xf32, #tpu.memory_space<vmem>>, %arg5: memref<128x128xf32, #tpu.memory_space<vmem>>, %arg6: memref<1x128xf32, #tpu.memory_space<vmem>>, %arg7: memref<1000x128xf32, #tpu.memory_space<vmem>>, %arg8: memref<1000x1xf32, #tpu.memory_space<vmem>>) attributes {dimension_semantics = [#tpu.dimension_semantics<arbitrary>], iteration_bounds = array<i64: 10>, scalar_prefetch = 0 : i64, scratch_operands = 0 : i64, tpu.core_type = #tpu.core_type<tc>, window_params = [{transform_indices = @transform_0, window_bounds = array<i64: 1000, 128>}, {transform_indices = @transform_1, window_bounds = array<i64: 2, 1000, 128>}, {transform_indices = @transform_2, window_bounds = array<i64: 1, 32, 1000>}, {pipeline_mode = #tpu.pipeline_mode<synchronous>, transform_indices = @transform_3, window_bounds = array<i64: 128, 128>}, {pipeline_mode = #tpu.pipeline_mode<synchronous>, transform_indices = @transform_4, window_bounds = array<i64: 128, 128>}, {pipeline_mode = #tpu.pipeline_mode<synchronous>, transform_indices = @transform_5, window_bounds = array<i64: 1, 128>}, {transform_indices = @transform_6, window_bounds = array<i64: 1000, 128>}, {transform_indices = @transform_7, window_bounds = array<i64: 1000, 1>}]} {
    %get3A = arith.constant 0 : index
    %get3A_0 = arith.constant 0 : index
    %get3A_1 = arith.constant 0 : index
    %get3A_2 = vector.load %arg3[%get3A, %get3A_0, %get3A_1] : memref<1x32x1000xf32, #tpu.memory_space<vmem>>, vector<1x32x1000xf32>
    %get3A_3 = vector.shape_cast %get3A_2 : vector<1x32x1000xf32> to vector<32x1000xf32>
    %reduce_sum3A = arith.constant dense<0.000000e+00> : vector<1000xf32>
    %reduce_sum3A_4 = vector.multi_reduction <add>, %get3A_3, %reduce_sum3A [0] : vector<32x1000xf32> to vector<1000xf32>
    %broadcast_in_dim3A = vector.shape_cast %reduce_sum3A_4 : vector<1000xf32> to vector<1000x1xf32>
    %max3A = arith.constant 1.000000e+00 : f32
    %max3A_5 = vector.broadcast %max3A : f32 to vector<1000x1xf32>
    %max3A_6 = arith.maximumf %broadcast_in_dim3A, %max3A_5 : vector<1000x1xf32>
    %div3A = arith.constant 1.000000e+00 : f32
    %div3A_7 = vector.broadcast %div3A : f32 to vector<1000x1xf32>
    %div3A_8 = arith.divf %div3A_7, %max3A_6 : vector<1000x1xf32>
    %swap3A = arith.constant 0 : index
    %swap3A_9 = arith.constant 0 : index
    %swap3A_10 = vector.load %arg8[%swap3A, %swap3A_9] : memref<1000x1xf32, #tpu.memory_space<vmem>>, vector<1000x1xf32>
    tpu.vector_store %arg8[%swap3A, %swap3A_9], %div3A_8 {strides = array<i32>} : memref<1000x1xf32, #tpu.memory_space<vmem>>, vector<1000x1xf32>,
    %get3A_11 = arith.constant 0 : index
    %get3A_12 = arith.constant 0 : index
    %get3A_13 = arith.constant 0 : index
    %get3A_14 = vector.load %arg2[%get3A_11, %get3A_12, %get3A_13] : memref<2x1000x128xf32, #tpu.memory_space<vmem>>, vector<1x1000x128xf32>
    %get3A_15 = vector.shape_cast %get3A_14 : vector<1x1000x128xf32> to vector<1000x128xf32>
    %get3A_16 = arith.constant 1 : index
    %get3A_17 = arith.constant 0 : index
    %get3A_18 = arith.constant 0 : index
    %get3A_19 = vector.load %arg2[%get3A_16, %get3A_17, %get3A_18] : memref<2x1000x128xf32, #tpu.memory_space<vmem>>, vector<1x1000x128xf32>
    %get3A_20 = vector.shape_cast %get3A_19 : vector<1x1000x128xf32> to vector<1000x128xf32>
    %add3A = arith.addf %get3A_15, %get3A_20 : vector<1000x128xf32>
    %mul3A = vector.broadcast %div3A_8 : vector<1000x1xf32> to vector<1000x128xf32>
    %mul3A_21 = arith.mulf %add3A, %mul3A : vector<1000x128xf32>
    %get3A_22 = arith.constant 0 : index
    %get3A_23 = arith.constant 0 : index
    %get3A_24 = vector.load %arg1[%get3A_22, %get3A_23] : memref<1000x128xf32, #tpu.memory_space<vmem>>, vector<1000x128xf32>
    %get3A_25 = arith.constant 0 : index
    %get3A_26 = arith.constant 0 : index
    %get3A_27 = vector.load %arg4[%get3A_25, %get3A_26] : memref<128x128xf32, #tpu.memory_space<vmem>>, vector<128x128xf32>
    %dot_general3A = arith.constant dense<0.000000e+00> : vector<1000x128xf32>
    %dot_general3A_28 = tpu.matmul %get3A_24, %get3A_27, %dot_general3A {dimension_numbers = #tpu.dot_dimension_numbers<[1], [0], [0], [1], [0, 0, 1, 1], [], []>, transpose_lhs_hint = false} : vector<1000x128xf32>, vector<128x128xf32>, vector<1000x128xf32> -> vector<1000x128xf32>
    %get3A_29 = arith.constant 0 : index
    %get3A_30 = arith.constant 0 : index
    %get3A_31 = vector.load %arg5[%get3A_29, %get3A_30] : memref<128x128xf32, #tpu.memory_space<vmem>>, vector<128x128xf32>
    %dot_general3A_32 = arith.constant dense<0.000000e+00> : vector<1000x128xf32>
    %dot_general3A_33 = tpu.matmul %mul3A_21, %get3A_31, %dot_general3A_32 {dimension_numbers = #tpu.dot_dimension_numbers<[1], [0], [0], [1], [0, 0, 1, 1], [], []>, transpose_lhs_hint = false} : vector<1000x128xf32>, vector<128x128xf32>, vector<1000x128xf32> -> vector<1000x128xf32>
    %add3A_34 = arith.addf %dot_general3A_28, %dot_general3A_33 : vector<1000x128xf32>
    %get3A_35 = arith.constant 0 : index
    %get3A_36 = arith.constant 0 : index
    %get3A_37 = vector.load %arg6[%get3A_35, %get3A_36] : memref<1x128xf32, #tpu.memory_space<vmem>>, vector<1x128xf32>
    %add3A_38 = vector.broadcast %get3A_37 : vector<1x128xf32> to vector<1000x128xf32>
    %add3A_39 = arith.addf %add3A_34, %add3A_38 : vector<1000x128xf32>
    %max3A_40 = arith.constant 0.000000e+00 : f32
    %max3A_41 = vector.broadcast %max3A_40 : f32 to vector<1000x128xf32>
    %max3A_42 = arith.maximumf %add3A_39, %max3A_41 : vector<1000x128xf32>
    %swap3A_43 = arith.constant 0 : index
    %swap3A_44 = arith.constant 0 : index
    %swap3A_45 = vector.load %arg7[%swap3A_43, %swap3A_44] : memref<1000x128xf32, #tpu.memory_space<vmem>>, vector<1000x128xf32>
    tpu.vector_store %arg7[%swap3A_43, %swap3A_44], %max3A_42 {strides = array<i32>} : memref<1000x128xf32, #tpu.memory_space<vmem>>, vector<1000x128xf32>,
    return
  }
  func.func @transform_0(%arg0: i32) -> (i32, i32) {
    %c0_i32 = arith.constant 0 : i32
    %c0_i32_0 = arith.constant 0 : i32
    return %arg0, %c0_i32 : i32, i32
  }
  func.func @transform_1(%arg0: i32) -> (i32, i32, i32) {
    %c0_i32 = arith.constant 0 : i32
    %c0_i32_0 = arith.constant 0 : i32
    %c0_i32_1 = arith.constant 0 : i32
    return %c0_i32, %arg0, %c0_i32_0 : i32, i32, i32
  }
  func.func @transform_2(%arg0: i32) -> (i32, i32, i32) {
    %c0_i32 = arith.constant 0 : i32
    %c0_i32_0 = arith.constant 0 : i32
    %c0_i32_1 = arith.constant 0 : i32
    return %arg0, %c0_i32, %c0_i32_0 : i32, i32, i32
  }
  func.func @transform_3(%arg0: i32) -> (i32, i32) {
    %c0_i32 = arith.constant 0 : i32
    %c0_i32_0 = arith.constant 0 : i32
    %c0_i32_1 = arith.constant 0 : i32
    return %c0_i32, %c0_i32_0 : i32, i32
  }
  func.func @transform_4(%arg0: i32) -> (i32, i32) {
    %c0_i32 = arith.constant 0 : i32
    %c0_i32_0 = arith.constant 0 : i32
    %c0_i32_1 = arith.constant 0 : i32
    return %c0_i32, %c0_i32_0 : i32, i32
  }
  func.func @transform_5(%arg0: i32) -> (i32, i32) {
    %c0_i32 = arith.constant 0 : i32
    %c0_i32_0 = arith.constant 0 : i32
    %c0_i32_1 = arith.constant 0 : i32
    return %c0_i32, %c0_i32_0 : i32, i32
  }
  func.func @transform_6(%arg0: i32) -> (i32, i32) {
    %c0_i32 = arith.constant 0 : i32
    %c0_i32_0 = arith.constant 0 : i32
    return %arg0, %c0_i32 : i32, i32
  }
  func.func @transform_7(%arg0: i32) -> (i32, i32) {
    %c0_i32 = arith.constant 0 : i32
    %c0_i32_0 = arith.constant 0 : i32
    return %arg0, %c0_i32 : i32, i32
  }
}

module attributes {stable_mosaic.version = 14 : i64} {
  func.func @_combine2_body(%arg0: i32, %arg1: memref<1000x128xf32, #tpu.memory_space<vmem>>, %arg2: memref<2x1000x128xf32, #tpu.memory_space<vmem>>, %arg3: memref<1000x1xf32, #tpu.memory_space<vmem>>, %arg4: memref<128x128xf32, #tpu.memory_space<vmem>>, %arg5: memref<128x128xf32, #tpu.memory_space<vmem>>, %arg6: memref<1x128xf32, #tpu.memory_space<vmem>>, %arg7: memref<1000x128xf32, #tpu.memory_space<vmem>>) attributes {dimension_semantics = [#tpu.dimension_semantics<arbitrary>], iteration_bounds = array<i64: 10>, scalar_prefetch = 0 : i64, scratch_operands = 0 : i64, tpu.core_type = #tpu.core_type<tc>, window_params = [{transform_indices = @transform_0, window_bounds = array<i64: 1000, 128>}, {transform_indices = @transform_1, window_bounds = array<i64: 2, 1000, 128>}, {transform_indices = @transform_2, window_bounds = array<i64: 1000, 1>}, {pipeline_mode = #tpu.pipeline_mode<synchronous>, transform_indices = @transform_3, window_bounds = array<i64: 128, 128>}, {pipeline_mode = #tpu.pipeline_mode<synchronous>, transform_indices = @transform_4, window_bounds = array<i64: 128, 128>}, {pipeline_mode = #tpu.pipeline_mode<synchronous>, transform_indices = @transform_5, window_bounds = array<i64: 1, 128>}, {transform_indices = @transform_6, window_bounds = array<i64: 1000, 128>}]} {
    %get3A = arith.constant 0 : index
    %get3A_0 = arith.constant 0 : index
    %get3A_1 = arith.constant 0 : index
    %get3A_2 = vector.load %arg2[%get3A, %get3A_0, %get3A_1] : memref<2x1000x128xf32, #tpu.memory_space<vmem>>, vector<1x1000x128xf32>
    %get3A_3 = vector.shape_cast %get3A_2 : vector<1x1000x128xf32> to vector<1000x128xf32>
    %get3A_4 = arith.constant 1 : index
    %get3A_5 = arith.constant 0 : index
    %get3A_6 = arith.constant 0 : index
    %get3A_7 = vector.load %arg2[%get3A_4, %get3A_5, %get3A_6] : memref<2x1000x128xf32, #tpu.memory_space<vmem>>, vector<1x1000x128xf32>
    %get3A_8 = vector.shape_cast %get3A_7 : vector<1x1000x128xf32> to vector<1000x128xf32>
    %add3A = arith.addf %get3A_3, %get3A_8 : vector<1000x128xf32>
    %get3A_9 = arith.constant 0 : index
    %get3A_10 = arith.constant 0 : index
    %get3A_11 = vector.load %arg3[%get3A_9, %get3A_10] : memref<1000x1xf32, #tpu.memory_space<vmem>>, vector<1000x1xf32>
    %mul3A = vector.broadcast %get3A_11 : vector<1000x1xf32> to vector<1000x128xf32>
    %mul3A_12 = arith.mulf %add3A, %mul3A : vector<1000x128xf32>
    %get3A_13 = arith.constant 0 : index
    %get3A_14 = arith.constant 0 : index
    %get3A_15 = vector.load %arg1[%get3A_13, %get3A_14] : memref<1000x128xf32, #tpu.memory_space<vmem>>, vector<1000x128xf32>
    %get3A_16 = arith.constant 0 : index
    %get3A_17 = arith.constant 0 : index
    %get3A_18 = vector.load %arg4[%get3A_16, %get3A_17] : memref<128x128xf32, #tpu.memory_space<vmem>>, vector<128x128xf32>
    %dot_general3A = arith.constant dense<0.000000e+00> : vector<1000x128xf32>
    %dot_general3A_19 = tpu.matmul %get3A_15, %get3A_18, %dot_general3A {dimension_numbers = #tpu.dot_dimension_numbers<[1], [0], [0], [1], [0, 0, 1, 1], [], []>, transpose_lhs_hint = false} : vector<1000x128xf32>, vector<128x128xf32>, vector<1000x128xf32> -> vector<1000x128xf32>
    %get3A_20 = arith.constant 0 : index
    %get3A_21 = arith.constant 0 : index
    %get3A_22 = vector.load %arg5[%get3A_20, %get3A_21] : memref<128x128xf32, #tpu.memory_space<vmem>>, vector<128x128xf32>
    %dot_general3A_23 = arith.constant dense<0.000000e+00> : vector<1000x128xf32>
    %dot_general3A_24 = tpu.matmul %mul3A_12, %get3A_22, %dot_general3A_23 {dimension_numbers = #tpu.dot_dimension_numbers<[1], [0], [0], [1], [0, 0, 1, 1], [], []>, transpose_lhs_hint = false} : vector<1000x128xf32>, vector<128x128xf32>, vector<1000x128xf32> -> vector<1000x128xf32>
    %add3A_25 = arith.addf %dot_general3A_19, %dot_general3A_24 : vector<1000x128xf32>
    %get3A_26 = arith.constant 0 : index
    %get3A_27 = arith.constant 0 : index
    %get3A_28 = vector.load %arg6[%get3A_26, %get3A_27] : memref<1x128xf32, #tpu.memory_space<vmem>>, vector<1x128xf32>
    %add3A_29 = vector.broadcast %get3A_28 : vector<1x128xf32> to vector<1000x128xf32>
    %add3A_30 = arith.addf %add3A_25, %add3A_29 : vector<1000x128xf32>
    %swap3A = arith.constant 0 : index
    %swap3A_31 = arith.constant 0 : index
    %swap3A_32 = vector.load %arg7[%swap3A, %swap3A_31] : memref<1000x128xf32, #tpu.memory_space<vmem>>, vector<1000x128xf32>
    tpu.vector_store %arg7[%swap3A, %swap3A_31], %add3A_30 {strides = array<i32>} : memref<1000x128xf32, #tpu.memory_space<vmem>>, vector<1000x128xf32>,
    return
  }
  func.func @transform_0(%arg0: i32) -> (i32, i32) {
    %c0_i32 = arith.constant 0 : i32
    %c0_i32_0 = arith.constant 0 : i32
    return %arg0, %c0_i32 : i32, i32
  }
  func.func @transform_1(%arg0: i32) -> (i32, i32, i32) {
    %c0_i32 = arith.constant 0 : i32
    %c0_i32_0 = arith.constant 0 : i32
    %c0_i32_1 = arith.constant 0 : i32
    return %c0_i32, %arg0, %c0_i32_0 : i32, i32, i32
  }
  func.func @transform_2(%arg0: i32) -> (i32, i32) {
    %c0_i32 = arith.constant 0 : i32
    %c0_i32_0 = arith.constant 0 : i32
    return %arg0, %c0_i32 : i32, i32
  }
  func.func @transform_3(%arg0: i32) -> (i32, i32) {
    %c0_i32 = arith.constant 0 : i32
    %c0_i32_0 = arith.constant 0 : i32
    %c0_i32_1 = arith.constant 0 : i32
    return %c0_i32, %c0_i32_0 : i32, i32
  }
  func.func @transform_4(%arg0: i32) -> (i32, i32) {
    %c0_i32 = arith.constant 0 : i32
    %c0_i32_0 = arith.constant 0 : i32
    %c0_i32_1 = arith.constant 0 : i32
    return %c0_i32, %c0_i32_0 : i32, i32
  }
  func.func @transform_5(%arg0: i32) -> (i32, i32) {
    %c0_i32 = arith.constant 0 : i32
    %c0_i32_0 = arith.constant 0 : i32
    %c0_i32_1 = arith.constant 0 : i32
    return %c0_i32, %c0_i32_0 : i32, i32
  }
  func.func @transform_6(%arg0: i32) -> (i32, i32) {
    %c0_i32 = arith.constant 0 : i32
    %c0_i32_0 = arith.constant 0 : i32
    return %arg0, %c0_i32 : i32, i32
  }
}

</mosaic_0001>

<sc_bundles>
// kernel: kernel.10.cloned.1.call-start
scs
__scs_entry_jumppad:
0x0: {  	(pc) =	sbr.rel $0x88, $3  }
0x1: {  	(tag) =	ssettag $0x0;
	lr =	simm.s32 $0x1  }
0x2: {  	[smem:$0x3F99] =	sst lr;
	_ =	strace $0xD0000000  }
0x3: {  	_ = 	snop  }
0x4: {  	_ = 	snop  }
0x5: {  	_ = 	snop  }
0x6: {  	_ = 	snop  }
0x7: {  	_ = 	snop  }
__scs_overlays_trampoline_lowered:
0x8: {  	[smem:$0x3FA8] =	sst s0  }
0x9: {  	[smem:$0x3FA9] =	sst s1  }
0xa: {  	[smem:$0x3FAA] =	sst s2  }
0xb: {  	[smem:$0x3FAB] =	sst s3  }
0xc: {  	[smem:$0x3FAC] =	sst s4  }
0xd: {  	[smem:$0x3FAD] =	sst s5  }
0xe: {  	[smem:$0x3FAE] =	sst s6  }
0xf: {  	[smem:$0x3FAF] =	sst s7  }
0x10: {  	[smem:$0x3FB0] =	sst s8  }
0x11: {  	[smem:$0x3FB1] =	sst s9;
	s0 =	simm.s32 @!p0 $0x0  }
0x12: {  	s1 =	sld [smem:$0x3F97];
	s0 =	simm.s32 @p0 $0x1  }
0x13: {  	[smem:$0x3FB2] =	sst s0;
	s0 =	simm.s32 @!p1 $0x0  }
0x14: {  	s2 =	sld [smem:$0x3F96];
	s0 =	simm.s32 @p1 $0x1  }
0x15: {  	[smem:$0x3FB3] =	sst s0;
	s0 =	simm.s32 @!p2 $0x0  }
0x16: {  	s3 =	sld [smem:$0x3FDB];
	s0 =	simm.s32 @p2 $0x1  }
0x17: {  	s4 =	simm.s32 $0x1BF5;
	[smem:$0x3FB5] =	sst s0  }
0x18: {  	s0 =	sld [smem:$0x3F98];
	_ =	swait.ge [sflag:s4], $0x0  }
0x19: {  	s7 =	sld [smem:$0x3F99]  }
0x1a: {  	s8 =	sadd.s32 $0xFFFFE003, lr  }
0x1b: {  	s9 =	sadd.s32 $0xFFFFFEF7, lr;
	s5 =	simm.s32 $0xFFFFFFFF;
	p2 =	slt.u32 s8, $0xFFFFF086  }
0x1c: {  	p1 =	slt.u32 s9, $0xF7A;
	s5 =	simm.s32 @!p2 $0x0  }
0x1d: {  	s5 =	simm.s32 @p1 $0x1;
	p0 =	seq.s32 s7, s2  }
0x1e: {  	s7 =	smul.u32 @!p0 $0xF7A, s2;
	p2 =	seq.s32 @!p0 s5, $0x0  }
0x1f: {  	s9 =	smul.u32 $0xF7A, s1;
	s8 =	simm.s32 @!p0 $0x1BF5;
	p2 =	por !p2, p0  }
0x20: {  	[sflag:s8] =	ssyncset.s32 @!p0 $0xFFFFF086;
	s6 =	sadd.s32 @!p0 s3, s7;
	s7 =	simm.s32 @!p0 $0x108  }
0x21: {  	s3 =	sadd.s32 s3, s9;
	s6 =	sadd.s32 @!p0 $0x88, s6;
	s7 =	simm.s32 @p2 $0x1082  }
0x22: {  	[simem:s7], [sflag:s8] =	dma.local @!p0 [hbm:s6], $0xF7A  }
0x23: {  	s9 =	sor.u32 $0xD0000000, s2;
	s6 =	simm.s32 $0x108;
	_ =	swait.ge @!p0 [sflag:s8], $0x0  }
0x24: {  	s3 =	sadd.s32 $0x88, s3;
	s6 =	simm.s32 @!p1 $0x1082;
	[sflag:s4] =	ssyncset.s32 $0xFFFFF086  }
0x25: {  	[simem:s6], [sflag:s4] =	dma.local [hbm:s3], $0xF7A  }
0x26: {  	[smem:$0x3F99] =	sst s1;
	(tag) =	ssettag s2;
	_ =	strace s9  }
0x27: {  	s1 =	sld [smem:$0x3FA9]  }
0x28: {  	s2 =	sld [smem:$0x3FAA]  }
0x29: {  	s4 =	sld [smem:$0x3FAC]  }
0x2a: {  	p0 =	seq.s32 s5, $0x0;
	s5 =	sld [smem:$0x3FAD]  }
0x2b: {  	s6 =	sld [smem:$0x3FAE]  }
0x2c: {  	s7 =	sld [smem:$0x3FAF]  }
0x2d: {  	s3 =	simm.s32 $0x108;
	s8 =	sld [smem:$0x3FB0]  }
0x2e: {  	s3 =	simm.s32 @!p0 $0x1082;
	s9 =	sld [smem:$0x3FB1]  }
0x2f: {  	lr =	sadd.s32 s0, s3;
	s0 =	sld [smem:$0x3FA8]  }
0x30: {  	s3 =	sld [smem:$0x3FAB]  }
0x31: {  	[smem:$0x3FB4] =	sst s10  }
0x32: {  	s10 =	sld [smem:$0x3FB2];
	_ =	sdelay $0x3  }
0x33: {  	p0 =	seq.s32 s10, $0x1;
	s10 =	sld [smem:$0x3FB4];
	_ =	sdelay $0x3  }
0x34: {  	[smem:$0x3FB4] =	sst s10  }
0x35: {  	s10 =	sld [smem:$0x3FB3];
	_ =	sdelay $0x3  }
0x36: {  	p1 =	seq.s32 s10, $0x1;
	s10 =	sld [smem:$0x3FB4];
	_ =	sdelay $0x3  }
0x37: {  	[smem:$0x3FB4] =	sst s10  }
0x38: {  	s10 =	sld [smem:$0x3FB5]  }
0x39: {  	_ = 	snop;
	(pc) =	sbr.ind lr, $3  }
0x3a: {  	_ = 	snop  }
0x3b: {  	_ = 	snop  }
0x3c: {  	p2 =	seq.s32 s10, $0x1;
	s10 =	sld [smem:$0x3FB4]  }
0x3d: {  	_ =	shalt  }
0x3e: {  	_ =	shalt  }
0x3f: {  	_ =	shalt  }
0x40: {  	_ =	shalt  }
0x41: {  	_ =	shalt  }
0x42: {  	_ =	shalt  }
0x43: {  	_ =	shalt  }
0x44: {  	_ =	shalt  }
0x45: {  	_ =	shalt  }
0x46: {  	_ =	shalt  }
0x47: {  	_ =	shalt  }
0x48: {  	_ =	shalt  }
0x49: {  	_ =	shalt  }
0x4a: {  	_ =	shalt  }
0x4b: {  	_ =	shalt  }
0x4c: {  	_ =	shalt  }
0x4d: {  	_ =	shalt  }
0x4e: {  	_ =	shalt  }
0x4f: {  	_ =	shalt  }
0x50: {  	_ =	shalt  }
0x51: {  	_ =	shalt  }
0x52: {  	_ =	shalt  }
0x53: {  	_ =	shalt  }
0x54: {  	_ =	shalt  }
0x55: {  	_ =	shalt  }
0x56: {  	_ =	shalt  }
0x57: {  	_ =	shalt  }
0x58: {  	_ =	shalt  }
0x59: {  	_ =	shalt  }
0x5a: {  	_ =	shalt  }
0x5b: {  	_ =	shalt  }
0x5c: {  	_ =	shalt  }
0x5d: {  	_ =	shalt  }
0x5e: {  	_ =	shalt  }
0x5f: {  	_ =	shalt  }
0x60: {  	_ =	shalt  }
0x61: {  	_ =	shalt  }
0x62: {  	_ =	shalt  }
0x63: {  	_ =	shalt  }
0x64: {  	_ =	shalt  }
0x65: {  	_ =	shalt  }
0x66: {  	_ =	shalt  }
0x67: {  	_ =	shalt  }
0x68: {  	_ =	shalt  }
0x69: {  	_ =	shalt  }
0x6a: {  	_ =	shalt  }
0x6b: {  	_ =	shalt  }
0x6c: {  	_ =	shalt  }
0x6d: {  	_ =	shalt  }
0x6e: {  	_ =	shalt  }
0x6f: {  	_ =	shalt  }
0x70: {  	_ =	shalt  }
0x71: {  	_ =	shalt  }
0x72: {  	_ =	shalt  }
0x73: {  	_ =	shalt  }
0x74: {  	_ =	shalt  }
0x75: {  	_ =	shalt  }
0x76: {  	_ =	shalt  }
0x77: {  	_ =	shalt  }
0x78: {  	_ =	shalt  }
0x79: {  	_ =	shalt  }
0x7a: {  	_ =	shalt  }
0x7b: {  	_ =	shalt  }
0x7c: {  	_ =	shalt  }
0x7d: {  	_ =	shalt  }
0x7e: {  	_ =	shalt  }
0x7f: {  	_ =	shalt  }
0x80: {  	_ =	shalt  }
0x81: {  	_ =	shalt  }
0x82: {  	_ =	shalt  }
0x83: {  	_ =	shalt  }
0x84: {  	_ =	shalt  }
0x85: {  	_ =	shalt  }
0x86: {  	_ =	shalt  }
0x87: {  	_ =	shalt  }
.Lfunc_end0:
.L_simem_size_0:
called_computation.1_lowered:
.L_overlay_start_0:
0x88: {  	s2 =	sld [smem:$0x3FD9]  }
0x89: {  	s3 =	sld [smem:$0x3FFE];
	_ =	sdelay $0x1  }
0x8a: {  	s1 =	srdreg.scid  }
0x8b: {  	s0 =	sand.u32 $0x1, s1  }
0x8c: {  	s17 =	sshll.u32 s0, $0xA;
	s2 =	sadd.s32 s3, s2  }
0x8d: {  	s2 =	sadd.s32 s2, s17  }
0x8e: {  	[smem:$0x3FC0] =	sst s2  }
0x8f: {  	_ = 	snop  }
0x90: {  	s18 =	sld [smem:$0x3FC9];
	(tm) =	ssettm $0x1  }
0x91: {  	s19 =	sld [smem:$0x3FFB];
	_ =	sdelay $0x3  }
0x92: {  	_ =	strace s19  }
0x93: {  	s2 =	sld [smem:$0x3FFC];
	_ =	sdelay $0x3  }
0x94: {  	_ =	strace s2  }
0x95: {  	s2 =	sld [smem:$0x3FFD];
	_ =	sdelay $0x3  }
0x96: {  	_ =	strace s2  }
0x97: {  	_ =	strace $0x8FFFFFFF  }
0x98: {  	s20 =	sld [smem:$0x3FDB];
	_ =	sdelay $0x1  }
0x99: {  	s4 =	simm.s32 $_scs_section_size  }
0x9a: {  	s5 =	simm.s32 $_size__tile_overlayer_lowered;
	s6 =	simm.s32 $_tile_overlayer_lowered  }
0x9b: {  	s7 =	simm.s32 $0x1BFF;
	s21 =	sshll.u32 s6, $0x1;
	s4 =	sadd.s32 s4, s20  }
0x9c: {  	s22 =	simm.s32 $0x0;
	s5 =	sshll.u32 s5, $0x1;
	s6 =	sadd.s32 s21, s4  }
0x9d: {  	[timem:s22], [sflag:s7] =	dma.local [hbm:s6], s5  }
0x9e: {  	_ =	swait.ge [sflag:s7], s5  }
0x9f: {  	s5 =	ssub.s32 $0x0, s5;
	[sflag:s7] =	ssyncset.done $0x0  }
0xa0: {  	[sflag:s7] =	ssyncadd.s32 s5;
	_ =	sdelay $0x1  }
0xa1: {  	s23 =	simm.s32 $0x1B8B  }
0xa2: {  	_ =	swait.ge [sflag:s23], $0x1  }
0xa3: {  	[sflag:s23] =	ssyncset.done $0x0  }
0xa4: {  	[sflag:s23] =	ssyncadd.s32 $0xFFFFFFFF  }
0xa5: {  	s5 =	sld [smem:$0x0]  }
0xa6: {  	s6 =	sand.u32 $0xFFFFFFFE, s1  }
0xa7: {  	p0 =	sne.s32 s1, s6  }
0xa8: {  	s6 =	sshll.u32 @p0 s6, $0xE  }
0xa9: {  	s6 =	sadd.s32 @p0 $0x11B8D, s6;
	s7 =	sshll.u32 @p0 s5, $0x11  }
0xaa: {  	s6 =	sor.u32 @p0 s7, s6  }
0xab: {  	[sflag:s6] =	ssyncadd.remote.s32 @p0 $0x1;
	_ =	sdelay $0x1  }
0xac: {  	s6 =	simm.s32 @p0 $0x1B8D  }
0xad: {  	_ =	swait.eq @p0 [sflag:s6], $0x1  }
0xae: {  	[sflag:s6] =	ssyncadd.s32 @p0 $0xFFFFFFFF  }
0xaf: {  	s7 =	sshll.u32 @!p0 s1, $0xE  }
0xb0: {  	s7 =	sor.u32 @!p0 $0x4000, s7;
	s6 =	simm.s32 @!p0 $0x1B8D  }
0xb1: {  	s5 =	sshll.u32 @!p0 s5, $0x11;
	s7 =	sadd.s32 @!p0 $0x11B8D, s7;
	_ =	swait.eq @!p0 [sflag:s6], $0x1  }
0xb2: {  	s5 =	sor.u32 @!p0 s5, s7;
	[sflag:s6] =	ssyncadd.s32 @!p0 $0xFFFFFFFF  }
0xb3: {  	s25 =	simm.s32 $0x1B8E;
	s24 =	sld [smem:$0x3FFE];
	[sflag:s5] =	ssyncadd.remote.s32 @!p0 $0x1  }
0xb4: {  	s26 =	simm.s32 $execute0_lowered;
	[smem:$0x3FD2] =	sst s25  }
0xb5: {  	s6 =	sshll.u32 s26, $0x1;
	_ =	strace $0x80000049;
	[dreg:$0x1] =	wrdreg $0xFFFFFFFF  }
0xb6: {  	s28 =	simm.s32 $_size_execute0_lowered;
	s4 =	sadd.s32 s4, s6;
	[dreg:$0x0] =	wrdreg $0x0  }
0xb7: {  	s6 =	sshll.u32 s28, $0x1;
	[dreg:$0x2] =	wrdreg s4  }
0xb8: {  	[dreg:$0x3] =	wrdreg s6  }
0xb9: {  	[dreg:$0x4] =	wrdreg $0xC0  }
0xba: {  	_ =	task [dreg:s22], $0x5FFFF  }
0xbb: {  	[dreg:$0x1] =	wrdreg $0xFFFFFFFF  }
0xbc: {  	[dreg:$0x0] =	wrdreg $0x60  }
0xbd: {  	[dreg:$0x2] =	wrdreg s18  }
0xbe: {  	[dreg:$0x3] =	wrdreg s24  }
0xbf: {  	[dreg:$0x4] =	wrdreg $0xB5400  }
0xc0: {  	[dreg:$0x5] =	wrdreg $0xA  }
0xc1: {  	_ =	task.clear_ibuf [dreg:s22], $0x6FFFF;
	_ =	strace $0x90000049  }
0xc2: {  	s29 =	simm.s32 $0xA;
	_ =	strace $0x8000004B  }
0xc3: {  	_ =	swait.ge [sflag:s29], $0x1  }
0xc4: {  	[sflag:s29] =	ssyncadd.s32 $0xFFFFFFFF  }
0xc5: {  	_ =	strace $0x9000004B  }
0xc6: {  	_ =	sfence  }
0xc7: {  	s30 =	sld [smem:$0x0];
	_ =	sdelay $0x2  }
0xc8: {  	s31 =	sshll.u32 s1, $0xD;
	s1 =	sshrl.u32 s1, $0x2  }
0xc9: {  	s4 =	sand.u32 $0x4000, s31;
	s1 =	sadd.s32 s1, s30  }
0xca: {  	s0 =	sor.u32 s4, s0;
	s1 =	sshll.u32 s1, $0x11  }
0xcb: {  	s0 =	sor.u32 s1, s0  }
0xcc: {  	s0 =	sadd.s32 $0x8F2B, s0  }
0xcd: {  	[sflag:s0] =	ssyncadd.remote.s32 $0x1  }
0xce: {  	_ =	sfence.sel $0xFFFF  }
0xcf: {  	[dreg:$0x0] =	wrdreg $0xFFFFFFFF;
	(pc) =	sbr.abs _section_cstart, $3  }
0xd0: {  	[dreg:$0x1] =	wrdreg $0xFFFFFFFF  }
0xd1: {  	_ =	task.clear_ibuf [dreg:s22], $0x2FFFF;
	_ =	strace $0x9FFFFFFF  }
0xd2: {  	(tm) =	ssettm $0x7FFFFFFF  }
0xd3: {  	_ =	shalt  }
tec
execute0_lowered:
.L_overlay_start_1:
0x0: {  	(tag) =	ssettag $0x1  }
0x1: {  	s1 =	rddreg [dreg:$0x0]  }
0x2: {  	s2 =	srdreg.scid;
	s5 =	rddreg [dreg:$0x1]  }
0x3: {  	s0 =	stileid.u32;
	s3 =	rddreg [dreg:$0x2]  }
0x4: {  	s4 =	simm.s32 $0x0;
	s17 =	simm.s32 $0x3;
	s18 =	simm.s32 $0x1  }
0x5: {  	s19 =	simm.s32 $0x2;
	s20 =	simm.s32 $0x64;
	s21 =	simm.s32 $0x8340  }
0x6: {  	s22 =	simm.s32 $0x4;
	s23 =	simm.s32 $0x2838;
	s26 =	simm.s32 $0x50D8  }
0x7: {  	s28 =	simm.s32 $0x0;
	s6 =	sand.u32 $0x1, s2;
	s9 =	smul.u32 $0x4E200, s0  }
0x8: {  	s29 =	sshll.u32 s0, $0x1;
	[smem:$0x7FF] =	sst s4;
	s15 =	smul.u32 $0x13880, s0  }
0x9: {  	s7 =	sor.u32 s6, s29;
	s8 =	smul.u32 $0x27100, s6;
	s30 =	ssub.s32 $0x2, s6  }
0xa: {  	_ =	strace $0x8000004A;
	s7 =	smul.u32 $0x514, s7;
	s6 =	sshrl.u32 s30, $0x1  }
0xb: {  	s31 =	sshrl.u32 s9, $0x2;
	s25 =	sshrl.u32 s15, $0x3;
	s14 =	sadd.s32 s8, s5  }
0xc: {  	s16 =	ssub.s32 s30, s6;
	s13 =	sadd.s32 s31, s3;
	s7 =	sadd.s32 s7, s5  }
0xd: {  	s8 =	sadd.s32 $0x3200, s13;
	s9 =	sadd.s32 $0x6400, s13;
	s10 =	sadd.s32 $0x9600, s13  }
0xe: {  	s11 =	sadd.s32 $0xC800, s13;
	s12 =	sadd.s32 $0xFA00, s13;
	s13 =	sadd.s32 $0x12C00, s13  }
0xf: {  	s24 =	sadd.s32 $0x20E00, s14;
	s14 =	smax.u32 s16, $0x1;
	s16 =	simm.s32 $0x5140  }
0x10: {  	s5 =	sadd.s32 $0xC600, s7;
	s6 =	sadd.s32 $0x16A00, s7;
	s7 =	sadd.s32 s15, s3  }
0x11: {  	v0 =	vimm.f32 $0.0e+00;
	s15 =	simm.s32 $0x28A0;
	s24 =	sadd.s32 s25, s24;
	s25 =	simm.s32 $0x5070  }
.LBB2_1:
0x12: {  	[tilespmem:s4], [sflag:$0x1] =	stream.linear.gather [hbm4b:s5+s4], $0x28A0, $0x38;
	[tilespmem:$0x1EDC0] =	vst v63  }
0x13: {  	s29 =	sand.u32 $0xFE00, s4  }
0x14: {  	s30 =	sand.u32 $0x70, s4;
	s31 =	sshrl.u32 s29, $0x2  }
0x15: {  	[tilespmem:s15], [sflag:$0x2] =	stream.linear.gather [hbm4b:s6+s4], $0x28A0, $0x38;
	[tilespmem:$0x1EDC0] =	vst v63  }
0x16: {  	s29 =	simm.s32 $0x40;
	s31 =	sor.u32 s30, s31;
	s30 =	simm.s32 $0x0  }
.LBB2_2:
0x17: {  	p0 =	sne.s32 s29, $0xC7C0  }
0x18: {  	[tilespmem:s31+$0x5140] =	vst v0;
	s30 =	sadd.s32 $0x10, s30;
	s31 =	smov.u32 s29;
	s29 =	sadd.s32 $0x40, s29  }
.Ltmp0:
0x19: {  	(pc) =	sbr.rel @p0 .LBB2_2-.Ltmp0, $4  }
0x1a: {  	_ = 	snop  }
0x1b: {  	s31 =	sand.u32 $0xFE00, s31  }
0x1c: {  	s2 =	sand.u32 $0x70, s30;
	s31 =	sshrl.u32 s31, $0x2  }
0x1d: {  	s31 =	sor.u32 s2, s31  }
0x1e: {  	[tilespmem:s31+$0x5140] =	vst v0  }
0x1f: {  	[spmem:s7] =	stream.linear.scatter [tilespmem:s16], [sflag:$0x3], $0x3200, $0x38;
	[tilespmem:$0x1EDC0] =	vst v63  }
0x20: {  	_ = 	snop  }
0x21: {  	[spmem:s8] =	stream.linear.scatter [tilespmem:s16], [sflag:$0x3], $0x3200, $0x38;
	[tilespmem:$0x1EDC0] =	vst v63  }
0x22: {  	_ = 	snop  }
0x23: {  	[spmem:s9] =	stream.linear.scatter [tilespmem:s16], [sflag:$0x3], $0x3200, $0x38;
	[tilespmem:$0x1EDC0] =	vst v63  }
0x24: {  	_ = 	snop  }
0x25: {  	[spmem:s10] =	stream.linear.scatter [tilespmem:s16], [sflag:$0x3], $0x3200, $0x38;
	[tilespmem:$0x1EDC0] =	vst v63  }
0x26: {  	_ = 	snop  }
0x27: {  	[spmem:s11] =	stream.linear.scatter [tilespmem:s16], [sflag:$0x3], $0x3200, $0x38;
	[tilespmem:$0x1EDC0] =	vst v63  }
0x28: {  	_ = 	snop  }
0x29: {  	[spmem:s12] =	stream.linear.scatter [tilespmem:s16], [sflag:$0x3], $0x3200, $0x38;
	[tilespmem:$0x1EDC0] =	vst v63  }
0x2a: {  	_ = 	snop  }
0x2b: {  	[spmem:s13] =	stream.linear.scatter [tilespmem:s16], [sflag:$0x3], $0xC80, $0x38;
	[tilespmem:$0x1EDC0] =	vst v63  }
0x2c: {  	_ =	swait.ge [sflag:s17], $0x3200  }
0x2d: {  	[sflag:s17] =	ssyncset.done $0x0  }
0x2e: {  	[sflag:s17] =	ssyncadd.s32 $0xFFFFCE00  }
0x2f: {  	_ =	swait.ge [sflag:s17], $0x3200  }
0x30: {  	[sflag:s17] =	ssyncset.done $0x0  }
0x31: {  	[sflag:s17] =	ssyncadd.s32 $0xFFFFCE00  }
0x32: {  	_ =	swait.ge [sflag:s17], $0x3200  }
0x33: {  	[sflag:s17] =	ssyncset.done $0x0  }
0x34: {  	[sflag:s17] =	ssyncadd.s32 $0xFFFFCE00  }
0x35: {  	_ =	swait.ge [sflag:s17], $0x3200  }
0x36: {  	[sflag:s17] =	ssyncset.done $0x0  }
0x37: {  	[sflag:s17] =	ssyncadd.s32 $0xFFFFCE00  }
0x38: {  	_ =	swait.ge [sflag:s17], $0x3200  }
0x39: {  	[sflag:s17] =	ssyncset.done $0x0  }
0x3a: {  	[sflag:s17] =	ssyncadd.s32 $0xFFFFCE00  }
0x3b: {  	_ =	swait.ge [sflag:s17], $0x3200  }
0x3c: {  	[sflag:s17] =	ssyncset.done $0x0  }
0x3d: {  	[sflag:s17] =	ssyncadd.s32 $0xFFFFCE00  }
0x3e: {  	_ =	swait.ge [sflag:s17], $0xC80  }
0x3f: {  	[sflag:s17] =	ssyncset.done $0x0  }
0x40: {  	[sflag:s17] =	ssyncadd.s32 $0xFFFFF380  }
0x41: {  	_ =	swait.ge [sflag:s18], $0x28A0  }
0x42: {  	[sflag:s18] =	ssyncset.done $0x0  }
0x43: {  	[sflag:s18] =	ssyncadd.s32 $0xFFFFD760  }
0x44: {  	_ =	swait.ge [sflag:s19], $0x28A0  }
0x45: {  	[sflag:s19] =	ssyncset.done $0x0  }
0x46: {  	[sflag:s19] =	ssyncadd.s32 $0xFFFFD760  }
0x47: {  	s2 =	simm.s32 $0x0;
	[bflag:$0x0] =	sbarrier.arrive $0xFFFF  }
0x48: {  	[tilespmem:s16], [sflag:$0x1] =	stream.indirect.gather [hbm4b:s1+s20], $0x80, s2, s20, $0xb8;
	[tilespmem:$0x1EDC0] =	vst v63  }
0x49: {  	s0 =	simm.s32 $0x68  }
0x4a: {  	[tilespmem:s21], [sflag:$0x2] =	stream.indirect.gather [hbm4b:s1+s20], $0x80, s0, s20, $0xb8;
	[tilespmem:$0x1EDC0] =	vst v63  }
0x4b: {  	_ =	swait.ge [sflag:s18], $0x3200  }
0x4c: {  	[sflag:s18] =	ssyncset.done $0x0  }
0x4d: {  	s31 =	simm.s32 $0x28A0;
	[sflag:s18] =	ssyncadd.s32 $0xFFFFCE00  }
0x4e: {  	[spmem:s3] =	stream.indirect.scatter.add.f32 [tilespmem:s16], [sflag:$0x4], $0x80, s31, s20, $0xb8;
	[tilespmem:$0x1EDC0] =	vst v63  }
0x4f: {  	_ =	swait.ge [sflag:s22], $0x3200  }
0x50: {  	[sflag:s22] =	ssyncset.done $0x0  }
0x51: {  	s0 =	simm.s32 $0xD0;
	[sflag:s22] =	ssyncadd.s32 $0xFFFFCE00  }
0x52: {  	[tilespmem:s16], [sflag:$0x1] =	stream.indirect.gather [hbm4b:s1+s20], $0x80, s0, s20, $0xb8;
	[tilespmem:$0x1EDC0] =	vst v63  }
0x53: {  	_ =	swait.ge [sflag:s19], $0x3200  }
0x54: {  	[sflag:s19] =	ssyncset.done $0x0  }
0x55: {  	s31 =	simm.s32 $0x2908;
	[sflag:s19] =	ssyncadd.s32 $0xFFFFCE00  }
0x56: {  	[spmem:s3] =	stream.indirect.scatter.add.f32 [tilespmem:s21], [sflag:$0x4], $0x80, s31, s20, $0xb8;
	[tilespmem:$0x1EDC0] =	vst v63  }
0x57: {  	_ =	swait.ge [sflag:s22], $0x3200  }
0x58: {  	s30 =	simm.s32 $0x680;
	s29 =	simm.s32 $0xD0;
	[sflag:s22] =	ssyncset.done $0x0  }
.LBB2_4:
0x59: {  	s2 =	sadd.s32 $0x68, s29  }
0x5a: {  	[sflag:s22] =	ssyncadd.s32 $0xFFFFCE00;
	s31 =	smov.u32 s30;
	s0 =	sadd.s32 $0x340, s30  }
0x5b: {  	[tilespmem:s21], [sflag:$0x2] =	stream.indirect.gather [hbm4b:s1+s20], $0x80, s2, s20, $0xb8;
	[tilespmem:$0x1EDC0] =	vst v63  }
0x5c: {  	p0 =	sne.s32 s30, $0x9C00;
	_ =	swait.ge [sflag:s18], $0x3200  }
0x5d: {  	[sflag:s18] =	ssyncset.done $0x0  }
0x5e: {  	s2 =	sadd.s32 $0x28A0, s29;
	[sflag:s18] =	ssyncadd.s32 $0xFFFFCE00  }
0x5f: {  	[spmem:s3] =	stream.indirect.scatter.add.f32 [tilespmem:s16], [sflag:$0x4], $0x80, s2, s20, $0xb8;
	[tilespmem:$0x1EDC0] =	vst v63  }
0x60: {  	_ =	swait.ge [sflag:s22], $0x3200  }
0x61: {  	[sflag:s22] =	ssyncset.done $0x0  }
0x62: {  	s2 =	sadd.s32 $0xD0, s29;
	[sflag:s22] =	ssyncadd.s32 $0xFFFFCE00  }
0x63: {  	[tilespmem:s16], [sflag:$0x1] =	stream.indirect.gather [hbm4b:s1+s20], $0x80, s2, s20, $0xb8;
	[tilespmem:$0x1EDC0] =	vst v63  }
0x64: {  	_ =	swait.ge [sflag:s19], $0x3200  }
.Ltmp1:
0x65: {  	[sflag:s19] =	ssyncset.done $0x0;
	(pc) =	sbr.rel @p0 .LBB2_4-.Ltmp1, $4  }
0x66: {  	s2 =	sadd.s32 $0x2908, s29;
	[sflag:s19] =	ssyncadd.s32 $0xFFFFCE00  }
0x67: {  	[spmem:s3] =	stream.indirect.scatter.add.f32 [tilespmem:s21], [sflag:$0x4], $0x80, s2, s20, $0xb8;
	[tilespmem:$0x1EDC0] =	vst v63  }
0x68: {  	_ =	swait.ge [sflag:s22], $0x3200  }
0x69: {  	s30 =	smov.u32 s0;
	s29 =	sshra.s32 s31, $0x2;
	[sflag:s22] =	ssyncset.done $0x0  }
0x6a: {  	s0 =	sadd.s32 $0x68, s29;
	[sflag:s22] =	ssyncadd.s32 $0xFFFFCE00  }
0x6b: {  	[tilespmem:s21], [sflag:$0x2] =	stream.indirect.gather [hbm4b:s1+s20], $0x80, s0, s20, $0xb8;
	[tilespmem:$0x1EDC0] =	vst v63  }
0x6c: {  	_ =	swait.ge [sflag:s18], $0x3200  }
0x6d: {  	[sflag:s18] =	ssyncset.done $0x0  }
0x6e: {  	s31 =	sadd.s32 $0x28A0, s29;
	[sflag:s18] =	ssyncadd.s32 $0xFFFFCE00  }
0x6f: {  	[spmem:s3] =	stream.indirect.scatter.add.f32 [tilespmem:s16], [sflag:$0x4], $0x80, s31, s20, $0xb8;
	[tilespmem:$0x1EDC0] =	vst v63  }
0x70: {  	_ =	swait.ge [sflag:s22], $0x3200  }
0x71: {  	[sflag:s22] =	ssyncset.done $0x0  }
0x72: {  	s2 =	sadd.s32 $0xD0, s29;
	[sflag:s22] =	ssyncadd.s32 $0xFFFFCE00  }
0x73: {  	[tilespmem:s16], [sflag:$0x1] =	stream.indirect.gather [hbm4b:s1+s20], $0x80, s2, s20, $0xb8;
	[tilespmem:$0x1EDC0] =	vst v63  }
0x74: {  	_ =	swait.ge [sflag:s19], $0x3200  }
0x75: {  	[sflag:s19] =	ssyncset.done $0x0  }
0x76: {  	s30 =	sadd.s32 $0x2908, s29;
	[sflag:s19] =	ssyncadd.s32 $0xFFFFCE00  }
0x77: {  	[spmem:s3] =	stream.indirect.scatter.add.f32 [tilespmem:s21], [sflag:$0x4], $0x80, s30, s20, $0xb8;
	[tilespmem:$0x1EDC0] =	vst v63  }
0x78: {  	_ =	swait.ge [sflag:s22], $0x3200  }
0x79: {  	[sflag:s22] =	ssyncset.done $0x0  }
0x7a: {  	[sflag:s22] =	ssyncadd.s32 $0xFFFFCE00  }
0x7b: {  	[tilespmem:s21], [sflag:$0x2] =	stream.indirect.gather [hbm4b:s1+s20], $0x80, s23, s20, $0xb8;
	[tilespmem:$0x1EDC0] =	vst v63  }
0x7c: {  	_ =	swait.ge [sflag:s18], $0x3200  }
0x7d: {  	[sflag:s18] =	ssyncset.done $0x0  }
0x7e: {  	[sflag:s18] =	ssyncadd.s32 $0xFFFFCE00  }
0x7f: {  	[spmem:s3] =	stream.indirect.scatter.add.f32 [tilespmem:s16], [sflag:$0x4], $0x80, s25, s20, $0xb8;
	[tilespmem:$0x1EDC0] =	vst v63  }
0x80: {  	_ =	swait.ge [sflag:s22], $0x3200  }
0x81: {  	[sflag:s22] =	ssyncset.done $0x0  }
0x82: {  	[sflag:s22] =	ssyncadd.s32 $0xFFFFCE00  }
0x83: {  	_ =	swait.ge [sflag:s19], $0x3200  }
0x84: {  	[sflag:s19] =	ssyncset.done $0x0  }
0x85: {  	[sflag:s19] =	ssyncadd.s32 $0xFFFFCE00  }
0x86: {  	[spmem:s3] =	stream.indirect.scatter.add.f32 [tilespmem:s21], [sflag:$0x4], $0x80, s26, s20, $0xb8;
	[tilespmem:$0x1EDC0] =	vst v63  }
0x87: {  	s31 =	stileid.u32;
	_ =	swait.ge [sflag:s22], $0x3200  }
0x88: {  	s28 =	sadd.s32 $0x1, s28;
	s0 =	sshll.u32 s31, $0x6;
	[sflag:s22] =	ssyncset.done $0x0  }
0x89: {  	p0 =	sne.s32 s28, s14;
	s0 =	sor.u32 $0x1C04, s0;
	[sflag:s22] =	ssyncadd.s32 $0xFFFFCE00  }
.Ltmp2:
0x8a: {  	s2 =	sshrl.u32 s7, $0x3;
	[bflag:$0x0] =	sbarrier.arrive $0xFFFF;
	(pc) =	sbr.rel @p0 .LBB2_1-.Ltmp2, $4  }
0x8b: {  	[hbm:s24], [sflag:s0] =	dma.local [spmem:s2], $0x2710  }
0x8c: {  	_ =	swait.ge [sflag:s22], $0x2710  }
0x8d: {  	[sflag:s22] =	ssyncset.done $0x0  }
0x8e: {  	[sflag:s22] =	ssyncadd.s32 $0xFFFFD8F0  }
0x8f: {  	_ =	sfence.sel $0x180000  }
0x90: {  	[bflag:$0x0] =	sbarrier.arrive $0xFFFF  }
0x91: {  	_ =	strace $0x9000004A  }
0x92: {  	s0 =	stileid.u32;
	[bflag:$0x2] =	sbarrier.arrive $0xFFFF  }
0x93: {  	p0 =	sne.s32 s0, $0x0;
	s0 =	rddreg [dreg:$0x3]  }
0x94: {  	s0 =	sadd.s32 @!p0 $0x100000, s0  }
0x95: {  	[sflag:s0] =	ssyncadd.tile.s32 @!p0 $0x1;
	_ =	shalt  }
.Lfunc_end2:
_tile_overlayer_lowered:
.L_overlay_start_2:
0x96: {  	(tag) =	ssettag $0x2  }
0x97: {  	s0 =	rddreg [dreg:$0x0];
	s2 =	stileid.u32  }
0x98: {  	s1 =	rddreg [dreg:$0x1];
	p0 =	sne.s32 s2, $0x0  }
0x99: {  	s3 =	rddreg [dreg:$0x2];
	[bflag:$0x3] =	sbarrier.arrive $0xFFFF;
	s2 =	simm.s32 @!p0 $0x1C04  }
0x9a: {  	[timem:s3], [sflag:s2] =	dma.local @!p0 [hbm:s0], s1  }
0x9b: {  	s0 =	simm.s32 @!p0 $0x4  }
0x9c: {  	_ =	swait.ge @!p0 [sflag:s0], s1  }
0x9d: {  	s1 =	ssub.s32 @!p0 $0x0, s1;
	[sflag:s0] =	ssyncset.done @!p0 $0x0  }
0x9e: {  	[sflag:s0] =	ssyncadd.s32 @!p0 s1  }
0x9f: {  	[bflag:$0x3] =	sbarrier.arrive $0xFFFF  }
0xa0: {  	_ =	shalt  }

// kernel: kernel.13.cloned.1.call-start
scs
__scs_entry_jumppad:
0x0: {  	(pc) =	sbr.rel $0x88, $3  }
0x1: {  	(tag) =	ssettag $0x0;
	lr =	simm.s32 $0x1  }
0x2: {  	[smem:$0x3F99] =	sst lr;
	_ =	strace $0xD0000000  }
0x3: {  	_ = 	snop  }
0x4: {  	_ = 	snop  }
0x5: {  	_ = 	snop  }
0x6: {  	_ = 	snop  }
0x7: {  	_ = 	snop  }
__scs_overlays_trampoline_lowered:
0x8: {  	[smem:$0x3FA8] =	sst s0  }
0x9: {  	[smem:$0x3FA9] =	sst s1  }
0xa: {  	[smem:$0x3FAA] =	sst s2  }
0xb: {  	[smem:$0x3FAB] =	sst s3  }
0xc: {  	[smem:$0x3FAC] =	sst s4  }
0xd: {  	[smem:$0x3FAD] =	sst s5  }
0xe: {  	[smem:$0x3FAE] =	sst s6  }
0xf: {  	[smem:$0x3FAF] =	sst s7  }
0x10: {  	[smem:$0x3FB0] =	sst s8  }
0x11: {  	[smem:$0x3FB1] =	sst s9;
	s0 =	simm.s32 @!p0 $0x0  }
0x12: {  	s1 =	sld [smem:$0x3F97];
	s0 =	simm.s32 @p0 $0x1  }
0x13: {  	[smem:$0x3FB2] =	sst s0;
	s0 =	simm.s32 @!p1 $0x0  }
0x14: {  	s2 =	sld [smem:$0x3F96];
	s0 =	simm.s32 @p1 $0x1  }
0x15: {  	[smem:$0x3FB3] =	sst s0;
	s0 =	simm.s32 @!p2 $0x0  }
0x16: {  	s3 =	sld [smem:$0x3FDB];
	s0 =	simm.s32 @p2 $0x1  }
0x17: {  	s4 =	simm.s32 $0x1BF5;
	[smem:$0x3FB5] =	sst s0  }
0x18: {  	s0 =	sld [smem:$0x3F98];
	_ =	swait.ge [sflag:s4], $0x0  }
0x19: {  	s7 =	sld [smem:$0x3F99]  }
0x1a: {  	s8 =	sadd.s32 $0xFFFFE003, lr  }
0x1b: {  	s9 =	sadd.s32 $0xFFFFFEF7, lr;
	s5 =	simm.s32 $0xFFFFFFFF;
	p2 =	slt.u32 s8, $0xFFFFF086  }
0x1c: {  	p1 =	slt.u32 s9, $0xF7A;
	s5 =	simm.s32 @!p2 $0x0  }
0x1d: {  	s5 =	simm.s32 @p1 $0x1;
	p0 =	seq.s32 s7, s2  }
0x1e: {  	s7 =	smul.u32 @!p0 $0xF7A, s2;
	p2 =	seq.s32 @!p0 s5, $0x0  }
0x1f: {  	s9 =	smul.u32 $0xF7A, s1;
	s8 =	simm.s32 @!p0 $0x1BF5;
	p2 =	por !p2, p0  }
0x20: {  	[sflag:s8] =	ssyncset.s32 @!p0 $0xFFFFF086;
	s6 =	sadd.s32 @!p0 s3, s7;
	s7 =	simm.s32 @!p0 $0x108  }
0x21: {  	s3 =	sadd.s32 s3, s9;
	s6 =	sadd.s32 @!p0 $0x88, s6;
	s7 =	simm.s32 @p2 $0x1082  }
0x22: {  	[simem:s7], [sflag:s8] =	dma.local @!p0 [hbm:s6], $0xF7A  }
0x23: {  	s9 =	sor.u32 $0xD0000000, s2;
	s6 =	simm.s32 $0x108;
	_ =	swait.ge @!p0 [sflag:s8], $0x0  }
0x24: {  	s3 =	sadd.s32 $0x88, s3;
	s6 =	simm.s32 @!p1 $0x1082;
	[sflag:s4] =	ssyncset.s32 $0xFFFFF086  }
0x25: {  	[simem:s6], [sflag:s4] =	dma.local [hbm:s3], $0xF7A  }
0x26: {  	[smem:$0x3F99] =	sst s1;
	(tag) =	ssettag s2;
	_ =	strace s9  }
0x27: {  	s1 =	sld [smem:$0x3FA9]  }
0x28: {  	s2 =	sld [smem:$0x3FAA]  }
0x29: {  	s4 =	sld [smem:$0x3FAC]  }
0x2a: {  	p0 =	seq.s32 s5, $0x0;
	s5 =	sld [smem:$0x3FAD]  }
0x2b: {  	s6 =	sld [smem:$0x3FAE]  }
0x2c: {  	s7 =	sld [smem:$0x3FAF]  }
0x2d: {  	s3 =	simm.s32 $0x108;
	s8 =	sld [smem:$0x3FB0]  }
0x2e: {  	s3 =	simm.s32 @!p0 $0x1082;
	s9 =	sld [smem:$0x3FB1]  }
0x2f: {  	lr =	sadd.s32 s0, s3;
	s0 =	sld [smem:$0x3FA8]  }
0x30: {  	s3 =	sld [smem:$0x3FAB]  }
0x31: {  	[smem:$0x3FB4] =	sst s10  }
0x32: {  	s10 =	sld [smem:$0x3FB2];
	_ =	sdelay $0x3  }
0x33: {  	p0 =	seq.s32 s10, $0x1;
	s10 =	sld [smem:$0x3FB4];
	_ =	sdelay $0x3  }
0x34: {  	[smem:$0x3FB4] =	sst s10  }
0x35: {  	s10 =	sld [smem:$0x3FB3];
	_ =	sdelay $0x3  }
0x36: {  	p1 =	seq.s32 s10, $0x1;
	s10 =	sld [smem:$0x3FB4];
	_ =	sdelay $0x3  }
0x37: {  	[smem:$0x3FB4] =	sst s10  }
0x38: {  	s10 =	sld [smem:$0x3FB5]  }
0x39: {  	_ = 	snop;
	(pc) =	sbr.ind lr, $3  }
0x3a: {  	_ = 	snop  }
0x3b: {  	_ = 	snop  }
0x3c: {  	p2 =	seq.s32 s10, $0x1;
	s10 =	sld [smem:$0x3FB4]  }
0x3d: {  	_ =	shalt  }
0x3e: {  	_ =	shalt  }
0x3f: {  	_ =	shalt  }
0x40: {  	_ =	shalt  }
0x41: {  	_ =	shalt  }
0x42: {  	_ =	shalt  }
0x43: {  	_ =	shalt  }
0x44: {  	_ =	shalt  }
0x45: {  	_ =	shalt  }
0x46: {  	_ =	shalt  }
0x47: {  	_ =	shalt  }
0x48: {  	_ =	shalt  }
0x49: {  	_ =	shalt  }
0x4a: {  	_ =	shalt  }
0x4b: {  	_ =	shalt  }
0x4c: {  	_ =	shalt  }
0x4d: {  	_ =	shalt  }
0x4e: {  	_ =	shalt  }
0x4f: {  	_ =	shalt  }
0x50: {  	_ =	shalt  }
0x51: {  	_ =	shalt  }
0x52: {  	_ =	shalt  }
0x53: {  	_ =	shalt  }
0x54: {  	_ =	shalt  }
0x55: {  	_ =	shalt  }
0x56: {  	_ =	shalt  }
0x57: {  	_ =	shalt  }
0x58: {  	_ =	shalt  }
0x59: {  	_ =	shalt  }
0x5a: {  	_ =	shalt  }
0x5b: {  	_ =	shalt  }
0x5c: {  	_ =	shalt  }
0x5d: {  	_ =	shalt  }
0x5e: {  	_ =	shalt  }
0x5f: {  	_ =	shalt  }
0x60: {  	_ =	shalt  }
0x61: {  	_ =	shalt  }
0x62: {  	_ =	shalt  }
0x63: {  	_ =	shalt  }
0x64: {  	_ =	shalt  }
0x65: {  	_ =	shalt  }
0x66: {  	_ =	shalt  }
0x67: {  	_ =	shalt  }
0x68: {  	_ =	shalt  }
0x69: {  	_ =	shalt  }
0x6a: {  	_ =	shalt  }
0x6b: {  	_ =	shalt  }
0x6c: {  	_ =	shalt  }
0x6d: {  	_ =	shalt  }
0x6e: {  	_ =	shalt  }
0x6f: {  	_ =	shalt  }
0x70: {  	_ =	shalt  }
0x71: {  	_ =	shalt  }
0x72: {  	_ =	shalt  }
0x73: {  	_ =	shalt  }
0x74: {  	_ =	shalt  }
0x75: {  	_ =	shalt  }
0x76: {  	_ =	shalt  }
0x77: {  	_ =	shalt  }
0x78: {  	_ =	shalt  }
0x79: {  	_ =	shalt  }
0x7a: {  	_ =	shalt  }
0x7b: {  	_ =	shalt  }
0x7c: {  	_ =	shalt  }
0x7d: {  	_ =	shalt  }
0x7e: {  	_ =	shalt  }
0x7f: {  	_ =	shalt  }
0x80: {  	_ =	shalt  }
0x81: {  	_ =	shalt  }
0x82: {  	_ =	shalt  }
0x83: {  	_ =	shalt  }
0x84: {  	_ =	shalt  }
0x85: {  	_ =	shalt  }
0x86: {  	_ =	shalt  }
0x87: {  	_ =	shalt  }
.Lfunc_end0:
.L_simem_size_0:
called_computation.2_lowered:
.L_overlay_start_0:
0x88: {  	s2 =	sld [smem:$0x3FD9]  }
0x89: {  	s3 =	sld [smem:$0x3FFE];
	_ =	sdelay $0x1  }
0x8a: {  	s1 =	srdreg.scid  }
0x8b: {  	s0 =	sand.u32 $0x1, s1  }
0x8c: {  	s17 =	sshll.u32 s0, $0xA;
	s2 =	sadd.s32 s3, s2  }
0x8d: {  	s2 =	sadd.s32 s2, s17  }
0x8e: {  	[smem:$0x3FC0] =	sst s2  }
0x8f: {  	_ = 	snop  }
0x90: {  	s2 =	sld [smem:$0x3FD0];
	(tm) =	ssettm $0x1  }
0x91: {  	s18 =	sld [smem:$0x3FFB];
	_ =	sdelay $0x3  }
0x92: {  	_ =	strace s18  }
0x93: {  	s3 =	sld [smem:$0x3FFC];
	_ =	sdelay $0x3  }
0x94: {  	_ =	strace s3  }
0x95: {  	s3 =	sld [smem:$0x3FFD];
	_ =	sdelay $0x3  }
0x96: {  	_ =	strace s3  }
0x97: {  	_ =	strace $0x8FFFFFFF  }
0x98: {  	s19 =	sld [smem:$0x3FDB];
	_ =	sdelay $0x1  }
0x99: {  	s4 =	simm.s32 $_scs_section_size  }
0x9a: {  	s5 =	simm.s32 $_size__tile_overlayer_lowered;
	s6 =	simm.s32 $_tile_overlayer_lowered  }
0x9b: {  	s22 =	simm.s32 $0x1BFF;
	s21 =	sshll.u32 s6, $0x1;
	s3 =	sadd.s32 s4, s19  }
0x9c: {  	s7 =	simm.s32 $0x0;
	s20 =	sshll.u32 s5, $0x1;
	s5 =	sadd.s32 s21, s3  }
0x9d: {  	[timem:s7], [sflag:s22] =	dma.local [hbm:s5], s20  }
0x9e: {  	_ =	swait.ge [sflag:s22], s20  }
0x9f: {  	s4 =	ssub.s32 $0x0, s20;
	[sflag:s22] =	ssyncset.done $0x0  }
0xa0: {  	[sflag:s22] =	ssyncadd.s32 s4;
	_ =	sdelay $0x1  }
0xa1: {  	s23 =	simm.s32 $0x1B8B  }
0xa2: {  	_ =	swait.ge [sflag:s23], $0x1  }
0xa3: {  	[sflag:s23] =	ssyncset.done $0x0  }
0xa4: {  	s25 =	simm.s32 $0x1B8E;
	s24 =	sld [smem:$0x3FFE];
	[sflag:s23] =	ssyncadd.s32 $0xFFFFFFFF  }
0xa5: {  	s26 =	simm.s32 $execute0_lowered;
	[smem:$0x3FD2] =	sst s25  }
0xa6: {  	s5 =	sshll.u32 s26, $0x1;
	_ =	strace $0x8000004C;
	[dreg:$0x1] =	wrdreg $0xFFFFFFFF  }
0xa7: {  	s28 =	simm.s32 $_size_execute0_lowered;
	s3 =	sadd.s32 s3, s5;
	[dreg:$0x0] =	wrdreg $0x0  }
0xa8: {  	s5 =	sshll.u32 s28, $0x1;
	[dreg:$0x2] =	wrdreg s3  }
0xa9: {  	[dreg:$0x3] =	wrdreg s5  }
0xaa: {  	[dreg:$0x4] =	wrdreg $0xC0  }
0xab: {  	_ =	task [dreg:s7], $0x5FFFF  }
0xac: {  	[dreg:$0x1] =	wrdreg $0xFFFFFFFF  }
0xad: {  	[dreg:$0x0] =	wrdreg $0x60  }
0xae: {  	[dreg:$0x2] =	wrdreg s2  }
0xaf: {  	[dreg:$0x3] =	wrdreg s24  }
0xb0: {  	[dreg:$0x4] =	wrdreg $0xB5400  }
0xb1: {  	[dreg:$0x5] =	wrdreg $0x9  }
0xb2: {  	_ =	task.clear_ibuf [dreg:s7], $0x6FFFF;
	_ =	strace $0x9000004C  }
0xb3: {  	s29 =	simm.s32 $0x9;
	_ =	strace $0x8000004E  }
0xb4: {  	_ =	swait.ge [sflag:s29], $0x1  }
0xb5: {  	[sflag:s29] =	ssyncadd.s32 $0xFFFFFFFF  }
0xb6: {  	_ =	strace $0x9000004E  }
0xb7: {  	_ =	sfence  }
0xb8: {  	s30 =	sld [smem:$0x0];
	_ =	sdelay $0x2  }
0xb9: {  	s31 =	sshll.u32 s1, $0xD;
	s1 =	sshrl.u32 s1, $0x2  }
0xba: {  	s3 =	sand.u32 $0x4000, s31;
	s1 =	sadd.s32 s1, s30  }
0xbb: {  	s0 =	sor.u32 s3, s0;
	s1 =	sshll.u32 s1, $0x11  }
0xbc: {  	s0 =	sor.u32 s1, s0  }
0xbd: {  	s0 =	sadd.s32 $0x8F2B, s0  }
0xbe: {  	[sflag:s0] =	ssyncadd.remote.s32 $0x1  }
0xbf: {  	_ =	sfence.sel $0xFFFF  }
0xc0: {  	[dreg:$0x0] =	wrdreg $0xFFFFFFFF;
	(pc) =	sbr.abs _section_cstart, $3  }
0xc1: {  	[dreg:$0x1] =	wrdreg $0xFFFFFFFF  }
0xc2: {  	_ =	task.clear_ibuf [dreg:s7], $0x2FFFF;
	_ =	strace $0x9FFFFFFF  }
0xc3: {  	(tm) =	ssettm $0x7FFFFFFF  }
tec
execute0_lowered:
.L_overlay_start_1:
0x0: {  	(tag) =	ssettag $0x1  }
0x1: {  	s1 =	rddreg [dreg:$0x0]  }
0x2: {  	s2 =	srdreg.scid;
	s5 =	rddreg [dreg:$0x1]  }
0x3: {  	s0 =	stileid.u32;
	s3 =	rddreg [dreg:$0x2]  }
0x4: {  	s4 =	simm.s32 $0x0;
	s17 =	simm.s32 $0x3;
	s18 =	simm.s32 $0x1  }
0x5: {  	s19 =	simm.s32 $0x2;
	s20 =	simm.s32 $0x64;
	s21 =	simm.s32 $0x8340  }
0x6: {  	s22 =	simm.s32 $0x4;
	s23 =	simm.s32 $0x2838;
	s26 =	simm.s32 $0x50D8  }
0x7: {  	s28 =	simm.s32 $0x0;
	s6 =	sand.u32 $0x1, s2;
	s9 =	smul.u32 $0x4E200, s0  }
0x8: {  	s29 =	sshll.u32 s0, $0x1;
	[smem:$0x7FF] =	sst s4;
	s15 =	smul.u32 $0x13880, s0  }
0x9: {  	s7 =	sor.u32 s6, s29;
	s8 =	smul.u32 $0x27100, s6;
	s30 =	ssub.s32 $0x2, s6  }
0xa: {  	_ =	strace $0x8000004D;
	s7 =	smul.u32 $0x514, s7;
	s6 =	sshrl.u32 s30, $0x1  }
0xb: {  	s31 =	sshrl.u32 s9, $0x2;
	s25 =	sshrl.u32 s15, $0x3;
	s14 =	sadd.s32 s8, s5  }
0xc: {  	s16 =	ssub.s32 s30, s6;
	s13 =	sadd.s32 s31, s3;
	s7 =	sadd.s32 s7, s5  }
0xd: {  	s8 =	sadd.s32 $0x3200, s13;
	s9 =	sadd.s32 $0x6400, s13;
	s10 =	sadd.s32 $0x9600, s13  }
0xe: {  	s11 =	sadd.s32 $0xC800, s13;
	s12 =	sadd.s32 $0xFA00, s13;
	s13 =	sadd.s32 $0x12C00, s13  }
0xf: {  	s24 =	sadd.s32 $0x20E00, s14;
	s14 =	smax.u32 s16, $0x1;
	s16 =	simm.s32 $0x5140  }
0x10: {  	s5 =	sadd.s32 $0xC600, s7;
	s6 =	sadd.s32 $0x16A00, s7;
	s7 =	sadd.s32 s15, s3  }
0x11: {  	v0 =	vimm.f32 $0.0e+00;
	s15 =	simm.s32 $0x28A0;
	s24 =	sadd.s32 s25, s24;
	s25 =	simm.s32 $0x5070  }
.LBB2_1:
0x12: {  	[tilespmem:s4], [sflag:$0x1] =	stream.linear.gather [hbm4b:s5+s4], $0x28A0, $0x38;
	[tilespmem:$0x1EDC0] =	vst v63  }
0x13: {  	s29 =	sand.u32 $0xFE00, s4  }
0x14: {  	s30 =	sand.u32 $0x70, s4;
	s31 =	sshrl.u32 s29, $0x2  }
0x15: {  	[tilespmem:s15], [sflag:$0x2] =	stream.linear.gather [hbm4b:s6+s4], $0x28A0, $0x38;
	[tilespmem:$0x1EDC0] =	vst v63  }
0x16: {  	s29 =	simm.s32 $0x40;
	s31 =	sor.u32 s30, s31;
	s30 =	simm.s32 $0x0  }
.LBB2_2:
0x17: {  	p0 =	sne.s32 s29, $0xC7C0  }
0x18: {  	[tilespmem:s31+$0x5140] =	vst v0;
	s30 =	sadd.s32 $0x10, s30;
	s31 =	smov.u32 s29;
	s29 =	sadd.s32 $0x40, s29  }
.Ltmp0:
0x19: {  	(pc) =	sbr.rel @p0 .LBB2_2-.Ltmp0, $4  }
0x1a: {  	_ = 	snop  }
0x1b: {  	s31 =	sand.u32 $0xFE00, s31  }
0x1c: {  	s2 =	sand.u32 $0x70, s30;
	s31 =	sshrl.u32 s31, $0x2  }
0x1d: {  	s31 =	sor.u32 s2, s31  }
0x1e: {  	[tilespmem:s31+$0x5140] =	vst v0  }
0x1f: {  	[spmem:s7] =	stream.linear.scatter [tilespmem:s16], [sflag:$0x3], $0x3200, $0x38;
	[tilespmem:$0x1EDC0] =	vst v63  }
0x20: {  	_ = 	snop  }
0x21: {  	[spmem:s8] =	stream.linear.scatter [tilespmem:s16], [sflag:$0x3], $0x3200, $0x38;
	[tilespmem:$0x1EDC0] =	vst v63  }
0x22: {  	_ = 	snop  }
0x23: {  	[spmem:s9] =	stream.linear.scatter [tilespmem:s16], [sflag:$0x3], $0x3200, $0x38;
	[tilespmem:$0x1EDC0] =	vst v63  }
0x24: {  	_ = 	snop  }
0x25: {  	[spmem:s10] =	stream.linear.scatter [tilespmem:s16], [sflag:$0x3], $0x3200, $0x38;
	[tilespmem:$0x1EDC0] =	vst v63  }
0x26: {  	_ = 	snop  }
0x27: {  	[spmem:s11] =	stream.linear.scatter [tilespmem:s16], [sflag:$0x3], $0x3200, $0x38;
	[tilespmem:$0x1EDC0] =	vst v63  }
0x28: {  	_ = 	snop  }
0x29: {  	[spmem:s12] =	stream.linear.scatter [tilespmem:s16], [sflag:$0x3], $0x3200, $0x38;
	[tilespmem:$0x1EDC0] =	vst v63  }
0x2a: {  	_ = 	snop  }
0x2b: {  	[spmem:s13] =	stream.linear.scatter [tilespmem:s16], [sflag:$0x3], $0xC80, $0x38;
	[tilespmem:$0x1EDC0] =	vst v63  }
0x2c: {  	_ =	swait.ge [sflag:s17], $0x3200  }
0x2d: {  	[sflag:s17] =	ssyncset.done $0x0  }
0x2e: {  	[sflag:s17] =	ssyncadd.s32 $0xFFFFCE00  }
0x2f: {  	_ =	swait.ge [sflag:s17], $0x3200  }
0x30: {  	[sflag:s17] =	ssyncset.done $0x0  }
0x31: {  	[sflag:s17] =	ssyncadd.s32 $0xFFFFCE00  }
0x32: {  	_ =	swait.ge [sflag:s17], $0x3200  }
0x33: {  	[sflag:s17] =	ssyncset.done $0x0  }
0x34: {  	[sflag:s17] =	ssyncadd.s32 $0xFFFFCE00  }
0x35: {  	_ =	swait.ge [sflag:s17], $0x3200  }
0x36: {  	[sflag:s17] =	ssyncset.done $0x0  }
0x37: {  	[sflag:s17] =	ssyncadd.s32 $0xFFFFCE00  }
0x38: {  	_ =	swait.ge [sflag:s17], $0x3200  }
0x39: {  	[sflag:s17] =	ssyncset.done $0x0  }
0x3a: {  	[sflag:s17] =	ssyncadd.s32 $0xFFFFCE00  }
0x3b: {  	_ =	swait.ge [sflag:s17], $0x3200  }
0x3c: {  	[sflag:s17] =	ssyncset.done $0x0  }
0x3d: {  	[sflag:s17] =	ssyncadd.s32 $0xFFFFCE00  }
0x3e: {  	_ =	swait.ge [sflag:s17], $0xC80  }
0x3f: {  	[sflag:s17] =	ssyncset.done $0x0  }
0x40: {  	[sflag:s17] =	ssyncadd.s32 $0xFFFFF380  }
0x41: {  	_ =	swait.ge [sflag:s18], $0x28A0  }
0x42: {  	[sflag:s18] =	ssyncset.done $0x0  }
0x43: {  	[sflag:s18] =	ssyncadd.s32 $0xFFFFD760  }
0x44: {  	_ =	swait.ge [sflag:s19], $0x28A0  }
0x45: {  	[sflag:s19] =	ssyncset.done $0x0  }
0x46: {  	[sflag:s19] =	ssyncadd.s32 $0xFFFFD760  }
0x47: {  	s2 =	simm.s32 $0x0;
	[bflag:$0x0] =	sbarrier.arrive $0xFFFF  }
0x48: {  	[tilespmem:s16], [sflag:$0x1] =	stream.indirect.gather [hbm4b:s1+s20], $0x80, s2, s20, $0xb8;
	[tilespmem:$0x1EDC0] =	vst v63  }
0x49: {  	s0 =	simm.s32 $0x68  }
0x4a: {  	[tilespmem:s21], [sflag:$0x2] =	stream.indirect.gather [hbm4b:s1+s20], $0x80, s0, s20, $0xb8;
	[tilespmem:$0x1EDC0] =	vst v63  }
0x4b: {  	_ =	swait.ge [sflag:s18], $0x3200  }
0x4c: {  	[sflag:s18] =	ssyncset.done $0x0  }
0x4d: {  	s31 =	simm.s32 $0x28A0;
	[sflag:s18] =	ssyncadd.s32 $0xFFFFCE00  }
0x4e: {  	[spmem:s3] =	stream.indirect.scatter.add.f32 [tilespmem:s16], [sflag:$0x4], $0x80, s31, s20, $0xb8;
	[tilespmem:$0x1EDC0] =	vst v63  }
0x4f: {  	_ =	swait.ge [sflag:s22], $0x3200  }
0x50: {  	[sflag:s22] =	ssyncset.done $0x0  }
0x51: {  	s0 =	simm.s32 $0xD0;
	[sflag:s22] =	ssyncadd.s32 $0xFFFFCE00  }
0x52: {  	[tilespmem:s16], [sflag:$0x1] =	stream.indirect.gather [hbm4b:s1+s20], $0x80, s0, s20, $0xb8;
	[tilespmem:$0x1EDC0] =	vst v63  }
0x53: {  	_ =	swait.ge [sflag:s19], $0x3200  }
0x54: {  	[sflag:s19] =	ssyncset.done $0x0  }
0x55: {  	s31 =	simm.s32 $0x2908;
	[sflag:s19] =	ssyncadd.s32 $0xFFFFCE00  }
0x56: {  	[spmem:s3] =	stream.indirect.scatter.add.f32 [tilespmem:s21], [sflag:$0x4], $0x80, s31, s20, $0xb8;
	[tilespmem:$0x1EDC0] =	vst v63  }
0x57: {  	_ =	swait.ge [sflag:s22], $0x3200  }
0x58: {  	s30 =	simm.s32 $0x680;
	s29 =	simm.s32 $0xD0;
	[sflag:s22] =	ssyncset.done $0x0  }
.LBB2_4:
0x59: {  	s2 =	sadd.s32 $0x68, s29  }
0x5a: {  	[sflag:s22] =	ssyncadd.s32 $0xFFFFCE00;
	s31 =	smov.u32 s30;
	s0 =	sadd.s32 $0x340, s30  }
0x5b: {  	[tilespmem:s21], [sflag:$0x2] =	stream.indirect.gather [hbm4b:s1+s20], $0x80, s2, s20, $0xb8;
	[tilespmem:$0x1EDC0] =	vst v63  }
0x5c: {  	p0 =	sne.s32 s30, $0x9C00;
	_ =	swait.ge [sflag:s18], $0x3200  }
0x5d: {  	[sflag:s18] =	ssyncset.done $0x0  }
0x5e: {  	s2 =	sadd.s32 $0x28A0, s29;
	[sflag:s18] =	ssyncadd.s32 $0xFFFFCE00  }
0x5f: {  	[spmem:s3] =	stream.indirect.scatter.add.f32 [tilespmem:s16], [sflag:$0x4], $0x80, s2, s20, $0xb8;
	[tilespmem:$0x1EDC0] =	vst v63  }
0x60: {  	_ =	swait.ge [sflag:s22], $0x3200  }
0x61: {  	[sflag:s22] =	ssyncset.done $0x0  }
0x62: {  	s2 =	sadd.s32 $0xD0, s29;
	[sflag:s22] =	ssyncadd.s32 $0xFFFFCE00  }
0x63: {  	[tilespmem:s16], [sflag:$0x1] =	stream.indirect.gather [hbm4b:s1+s20], $0x80, s2, s20, $0xb8;
	[tilespmem:$0x1EDC0] =	vst v63  }
0x64: {  	_ =	swait.ge [sflag:s19], $0x3200  }
.Ltmp1:
0x65: {  	[sflag:s19] =	ssyncset.done $0x0;
	(pc) =	sbr.rel @p0 .LBB2_4-.Ltmp1, $4  }
0x66: {  	s2 =	sadd.s32 $0x2908, s29;
	[sflag:s19] =	ssyncadd.s32 $0xFFFFCE00  }
0x67: {  	[spmem:s3] =	stream.indirect.scatter.add.f32 [tilespmem:s21], [sflag:$0x4], $0x80, s2, s20, $0xb8;
	[tilespmem:$0x1EDC0] =	vst v63  }
0x68: {  	_ =	swait.ge [sflag:s22], $0x3200  }
0x69: {  	s30 =	smov.u32 s0;
	s29 =	sshra.s32 s31, $0x2;
	[sflag:s22] =	ssyncset.done $0x0  }
0x6a: {  	s0 =	sadd.s32 $0x68, s29;
	[sflag:s22] =	ssyncadd.s32 $0xFFFFCE00  }
0x6b: {  	[tilespmem:s21], [sflag:$0x2] =	stream.indirect.gather [hbm4b:s1+s20], $0x80, s0, s20, $0xb8;
	[tilespmem:$0x1EDC0] =	vst v63  }
0x6c: {  	_ =	swait.ge [sflag:s18], $0x3200  }
0x6d: {  	[sflag:s18] =	ssyncset.done $0x0  }
0x6e: {  	s31 =	sadd.s32 $0x28A0, s29;
	[sflag:s18] =	ssyncadd.s32 $0xFFFFCE00  }
0x6f: {  	[spmem:s3] =	stream.indirect.scatter.add.f32 [tilespmem:s16], [sflag:$0x4], $0x80, s31, s20, $0xb8;
	[tilespmem:$0x1EDC0] =	vst v63  }
0x70: {  	_ =	swait.ge [sflag:s22], $0x3200  }
0x71: {  	[sflag:s22] =	ssyncset.done $0x0  }
0x72: {  	s2 =	sadd.s32 $0xD0, s29;
	[sflag:s22] =	ssyncadd.s32 $0xFFFFCE00  }
0x73: {  	[tilespmem:s16], [sflag:$0x1] =	stream.indirect.gather [hbm4b:s1+s20], $0x80, s2, s20, $0xb8;
	[tilespmem:$0x1EDC0] =	vst v63  }
0x74: {  	_ =	swait.ge [sflag:s19], $0x3200  }
0x75: {  	[sflag:s19] =	ssyncset.done $0x0  }
0x76: {  	s30 =	sadd.s32 $0x2908, s29;
	[sflag:s19] =	ssyncadd.s32 $0xFFFFCE00  }
0x77: {  	[spmem:s3] =	stream.indirect.scatter.add.f32 [tilespmem:s21], [sflag:$0x4], $0x80, s30, s20, $0xb8;
	[tilespmem:$0x1EDC0] =	vst v63  }
0x78: {  	_ =	swait.ge [sflag:s22], $0x3200  }
0x79: {  	[sflag:s22] =	ssyncset.done $0x0  }
0x7a: {  	[sflag:s22] =	ssyncadd.s32 $0xFFFFCE00  }
0x7b: {  	[tilespmem:s21], [sflag:$0x2] =	stream.indirect.gather [hbm4b:s1+s20], $0x80, s23, s20, $0xb8;
	[tilespmem:$0x1EDC0] =	vst v63  }
0x7c: {  	_ =	swait.ge [sflag:s18], $0x3200  }
0x7d: {  	[sflag:s18] =	ssyncset.done $0x0  }
0x7e: {  	[sflag:s18] =	ssyncadd.s32 $0xFFFFCE00  }
0x7f: {  	[spmem:s3] =	stream.indirect.scatter.add.f32 [tilespmem:s16], [sflag:$0x4], $0x80, s25, s20, $0xb8;
	[tilespmem:$0x1EDC0] =	vst v63  }
0x80: {  	_ =	swait.ge [sflag:s22], $0x3200  }
0x81: {  	[sflag:s22] =	ssyncset.done $0x0  }
0x82: {  	[sflag:s22] =	ssyncadd.s32 $0xFFFFCE00  }
0x83: {  	_ =	swait.ge [sflag:s19], $0x3200  }
0x84: {  	[sflag:s19] =	ssyncset.done $0x0  }
0x85: {  	[sflag:s19] =	ssyncadd.s32 $0xFFFFCE00  }
0x86: {  	[spmem:s3] =	stream.indirect.scatter.add.f32 [tilespmem:s21], [sflag:$0x4], $0x80, s26, s20, $0xb8;
	[tilespmem:$0x1EDC0] =	vst v63  }
0x87: {  	s31 =	stileid.u32;
	_ =	swait.ge [sflag:s22], $0x3200  }
0x88: {  	s28 =	sadd.s32 $0x1, s28;
	s0 =	sshll.u32 s31, $0x6;
	[sflag:s22] =	ssyncset.done $0x0  }
0x89: {  	p0 =	sne.s32 s28, s14;
	s0 =	sor.u32 $0x1C04, s0;
	[sflag:s22] =	ssyncadd.s32 $0xFFFFCE00  }
.Ltmp2:
0x8a: {  	s2 =	sshrl.u32 s7, $0x3;
	[bflag:$0x0] =	sbarrier.arrive $0xFFFF;
	(pc) =	sbr.rel @p0 .LBB2_1-.Ltmp2, $4  }
0x8b: {  	[hbm:s24], [sflag:s0] =	dma.local [spmem:s2], $0x2710  }
0x8c: {  	_ =	swait.ge [sflag:s22], $0x2710  }
0x8d: {  	[sflag:s22] =	ssyncset.done $0x0  }
0x8e: {  	[sflag:s22] =	ssyncadd.s32 $0xFFFFD8F0  }
0x8f: {  	_ =	sfence.sel $0x180000  }
0x90: {  	[bflag:$0x0] =	sbarrier.arrive $0xFFFF  }
0x91: {  	_ =	strace $0x9000004D  }
0x92: {  	s0 =	stileid.u32;
	[bflag:$0x2] =	sbarrier.arrive $0xFFFF  }
0x93: {  	p0 =	sne.s32 s0, $0x0;
	s0 =	rddreg [dreg:$0x3]  }
0x94: {  	s0 =	sadd.s32 @!p0 $0x100000, s0  }
0x95: {  	[sflag:s0] =	ssyncadd.tile.s32 @!p0 $0x1;
	_ =	shalt  }
.Lfunc_end2:
_tile_overlayer_lowered:
.L_overlay_start_2:
0x96: {  	(tag) =	ssettag $0x2  }
0x97: {  	s0 =	rddreg [dreg:$0x0];
	s2 =	stileid.u32  }
0x98: {  	s1 =	rddreg [dreg:$0x1];
	p0 =	sne.s32 s2, $0x0  }
0x99: {  	s3 =	rddreg [dreg:$0x2];
	[bflag:$0x3] =	sbarrier.arrive $0xFFFF;
	s2 =	simm.s32 @!p0 $0x1C04  }
0x9a: {  	[timem:s3], [sflag:s2] =	dma.local @!p0 [hbm:s0], s1  }
0x9b: {  	s0 =	simm.s32 @!p0 $0x4  }
0x9c: {  	_ =	swait.ge @!p0 [sflag:s0], s1  }
0x9d: {  	s1 =	ssub.s32 @!p0 $0x0, s1;
	[sflag:s0] =	ssyncset.done @!p0 $0x0  }
0x9e: {  	[sflag:s0] =	ssyncadd.s32 @!p0 s1  }
0x9f: {  	[bflag:$0x3] =	sbarrier.arrive $0xFFFF  }
0xa0: {  	_ =	shalt  }

// kernel: kernel.7.cloned.1.call-start
scs
__scs_entry_jumppad:
0x0: {  	(pc) =	sbr.rel $0x88, $3  }
0x1: {  	(tag) =	ssettag $0x0;
	lr =	simm.s32 $0x1  }
0x2: {  	[smem:$0x3F99] =	sst lr;
	_ =	strace $0xD0000000  }
0x3: {  	_ = 	snop  }
0x4: {  	_ = 	snop  }
0x5: {  	_ = 	snop  }
0x6: {  	_ = 	snop  }
0x7: {  	_ = 	snop  }
__scs_overlays_trampoline_lowered:
0x8: {  	[smem:$0x3FA8] =	sst s0  }
0x9: {  	[smem:$0x3FA9] =	sst s1  }
0xa: {  	[smem:$0x3FAA] =	sst s2  }
0xb: {  	[smem:$0x3FAB] =	sst s3  }
0xc: {  	[smem:$0x3FAC] =	sst s4  }
0xd: {  	[smem:$0x3FAD] =	sst s5  }
0xe: {  	[smem:$0x3FAE] =	sst s6  }
0xf: {  	[smem:$0x3FAF] =	sst s7  }
0x10: {  	[smem:$0x3FB0] =	sst s8  }
0x11: {  	[smem:$0x3FB1] =	sst s9;
	s0 =	simm.s32 @!p0 $0x0  }
0x12: {  	s1 =	sld [smem:$0x3F97];
	s0 =	simm.s32 @p0 $0x1  }
0x13: {  	[smem:$0x3FB2] =	sst s0;
	s0 =	simm.s32 @!p1 $0x0  }
0x14: {  	s2 =	sld [smem:$0x3F96];
	s0 =	simm.s32 @p1 $0x1  }
0x15: {  	[smem:$0x3FB3] =	sst s0;
	s0 =	simm.s32 @!p2 $0x0  }
0x16: {  	s3 =	sld [smem:$0x3FDB];
	s0 =	simm.s32 @p2 $0x1  }
0x17: {  	s4 =	simm.s32 $0x1BF5;
	[smem:$0x3FB5] =	sst s0  }
0x18: {  	s0 =	sld [smem:$0x3F98];
	_ =	swait.ge [sflag:s4], $0x0  }
0x19: {  	s7 =	sld [smem:$0x3F99]  }
0x1a: {  	s8 =	sadd.s32 $0xFFFFE003, lr  }
0x1b: {  	s9 =	sadd.s32 $0xFFFFFEF7, lr;
	s5 =	simm.s32 $0xFFFFFFFF;
	p2 =	slt.u32 s8, $0xFFFFF086  }
0x1c: {  	p1 =	slt.u32 s9, $0xF7A;
	s5 =	simm.s32 @!p2 $0x0  }
0x1d: {  	s5 =	simm.s32 @p1 $0x1;
	p0 =	seq.s32 s7, s2  }
0x1e: {  	s7 =	smul.u32 @!p0 $0xF7A, s2;
	p2 =	seq.s32 @!p0 s5, $0x0  }
0x1f: {  	s9 =	smul.u32 $0xF7A, s1;
	s8 =	simm.s32 @!p0 $0x1BF5;
	p2 =	por !p2, p0  }
0x20: {  	[sflag:s8] =	ssyncset.s32 @!p0 $0xFFFFF086;
	s6 =	sadd.s32 @!p0 s3, s7;
	s7 =	simm.s32 @!p0 $0x108  }
0x21: {  	s3 =	sadd.s32 s3, s9;
	s6 =	sadd.s32 @!p0 $0x88, s6;
	s7 =	simm.s32 @p2 $0x1082  }
0x22: {  	[simem:s7], [sflag:s8] =	dma.local @!p0 [hbm:s6], $0xF7A  }
0x23: {  	s9 =	sor.u32 $0xD0000000, s2;
	s6 =	simm.s32 $0x108;
	_ =	swait.ge @!p0 [sflag:s8], $0x0  }
0x24: {  	s3 =	sadd.s32 $0x88, s3;
	s6 =	simm.s32 @!p1 $0x1082;
	[sflag:s4] =	ssyncset.s32 $0xFFFFF086  }
0x25: {  	[simem:s6], [sflag:s4] =	dma.local [hbm:s3], $0xF7A  }
0x26: {  	[smem:$0x3F99] =	sst s1;
	(tag) =	ssettag s2;
	_ =	strace s9  }
0x27: {  	s1 =	sld [smem:$0x3FA9]  }
0x28: {  	s2 =	sld [smem:$0x3FAA]  }
0x29: {  	s4 =	sld [smem:$0x3FAC]  }
0x2a: {  	p0 =	seq.s32 s5, $0x0;
	s5 =	sld [smem:$0x3FAD]  }
0x2b: {  	s6 =	sld [smem:$0x3FAE]  }
0x2c: {  	s7 =	sld [smem:$0x3FAF]  }
0x2d: {  	s3 =	simm.s32 $0x108;
	s8 =	sld [smem:$0x3FB0]  }
0x2e: {  	s3 =	simm.s32 @!p0 $0x1082;
	s9 =	sld [smem:$0x3FB1]  }
0x2f: {  	lr =	sadd.s32 s0, s3;
	s0 =	sld [smem:$0x3FA8]  }
0x30: {  	s3 =	sld [smem:$0x3FAB]  }
0x31: {  	[smem:$0x3FB4] =	sst s10  }
0x32: {  	s10 =	sld [smem:$0x3FB2];
	_ =	sdelay $0x3  }
0x33: {  	p0 =	seq.s32 s10, $0x1;
	s10 =	sld [smem:$0x3FB4];
	_ =	sdelay $0x3  }
0x34: {  	[smem:$0x3FB4] =	sst s10  }
0x35: {  	s10 =	sld [smem:$0x3FB3];
	_ =	sdelay $0x3  }
0x36: {  	p1 =	seq.s32 s10, $0x1;
	s10 =	sld [smem:$0x3FB4];
	_ =	sdelay $0x3  }
0x37: {  	[smem:$0x3FB4] =	sst s10  }
0x38: {  	s10 =	sld [smem:$0x3FB5]  }
0x39: {  	_ = 	snop;
	(pc) =	sbr.ind lr, $3  }
0x3a: {  	_ = 	snop  }
0x3b: {  	_ = 	snop  }
0x3c: {  	p2 =	seq.s32 s10, $0x1;
	s10 =	sld [smem:$0x3FB4]  }
0x3d: {  	_ =	shalt  }
0x3e: {  	_ =	shalt  }
0x3f: {  	_ =	shalt  }
0x40: {  	_ =	shalt  }
0x41: {  	_ =	shalt  }
0x42: {  	_ =	shalt  }
0x43: {  	_ =	shalt  }
0x44: {  	_ =	shalt  }
0x45: {  	_ =	shalt  }
0x46: {  	_ =	shalt  }
0x47: {  	_ =	shalt  }
0x48: {  	_ =	shalt  }
0x49: {  	_ =	shalt  }
0x4a: {  	_ =	shalt  }
0x4b: {  	_ =	shalt  }
0x4c: {  	_ =	shalt  }
0x4d: {  	_ =	shalt  }
0x4e: {  	_ =	shalt  }
0x4f: {  	_ =	shalt  }
0x50: {  	_ =	shalt  }
0x51: {  	_ =	shalt  }
0x52: {  	_ =	shalt  }
0x53: {  	_ =	shalt  }
0x54: {  	_ =	shalt  }
0x55: {  	_ =	shalt  }
0x56: {  	_ =	shalt  }
0x57: {  	_ =	shalt  }
0x58: {  	_ =	shalt  }
0x59: {  	_ =	shalt  }
0x5a: {  	_ =	shalt  }
0x5b: {  	_ =	shalt  }
0x5c: {  	_ =	shalt  }
0x5d: {  	_ =	shalt  }
0x5e: {  	_ =	shalt  }
0x5f: {  	_ =	shalt  }
0x60: {  	_ =	shalt  }
0x61: {  	_ =	shalt  }
0x62: {  	_ =	shalt  }
0x63: {  	_ =	shalt  }
0x64: {  	_ =	shalt  }
0x65: {  	_ =	shalt  }
0x66: {  	_ =	shalt  }
0x67: {  	_ =	shalt  }
0x68: {  	_ =	shalt  }
0x69: {  	_ =	shalt  }
0x6a: {  	_ =	shalt  }
0x6b: {  	_ =	shalt  }
0x6c: {  	_ =	shalt  }
0x6d: {  	_ =	shalt  }
0x6e: {  	_ =	shalt  }
0x6f: {  	_ =	shalt  }
0x70: {  	_ =	shalt  }
0x71: {  	_ =	shalt  }
0x72: {  	_ =	shalt  }
0x73: {  	_ =	shalt  }
0x74: {  	_ =	shalt  }
0x75: {  	_ =	shalt  }
0x76: {  	_ =	shalt  }
0x77: {  	_ =	shalt  }
0x78: {  	_ =	shalt  }
0x79: {  	_ =	shalt  }
0x7a: {  	_ =	shalt  }
0x7b: {  	_ =	shalt  }
0x7c: {  	_ =	shalt  }
0x7d: {  	_ =	shalt  }
0x7e: {  	_ =	shalt  }
0x7f: {  	_ =	shalt  }
0x80: {  	_ =	shalt  }
0x81: {  	_ =	shalt  }
0x82: {  	_ =	shalt  }
0x83: {  	_ =	shalt  }
0x84: {  	_ =	shalt  }
0x85: {  	_ =	shalt  }
0x86: {  	_ =	shalt  }
0x87: {  	_ =	shalt  }
.Lfunc_end0:
.L_simem_size_0:
called_computation_lowered:
.L_overlay_start_0:
0x88: {  	s2 =	sld [smem:$0x3FD9]  }
0x89: {  	s3 =	sld [smem:$0x3FFE];
	_ =	sdelay $0x1  }
0x8a: {  	s1 =	srdreg.scid  }
0x8b: {  	s0 =	sand.u32 $0x1, s1  }
0x8c: {  	s17 =	sshll.u32 s0, $0xA;
	s2 =	sadd.s32 s3, s2  }
0x8d: {  	s2 =	sadd.s32 s2, s17  }
0x8e: {  	[smem:$0x3FC0] =	sst s2  }
0x8f: {  	_ = 	snop  }
0x90: {  	s2 =	sld [smem:$0x3FD0];
	(tm) =	ssettm $0x1  }
0x91: {  	s18 =	sld [smem:$0x3FFB];
	_ =	sdelay $0x3  }
0x92: {  	_ =	strace s18  }
0x93: {  	s3 =	sld [smem:$0x3FFC];
	_ =	sdelay $0x3  }
0x94: {  	_ =	strace s3  }
0x95: {  	s3 =	sld [smem:$0x3FFD];
	_ =	sdelay $0x3  }
0x96: {  	_ =	strace s3  }
0x97: {  	_ =	strace $0x8FFFFFFF  }
0x98: {  	s19 =	sld [smem:$0x3FDB];
	_ =	sdelay $0x1  }
0x99: {  	s4 =	simm.s32 $_scs_section_size  }
0x9a: {  	s5 =	simm.s32 $_size__tile_overlayer_lowered;
	s6 =	simm.s32 $_tile_overlayer_lowered  }
0x9b: {  	s22 =	simm.s32 $0x1BFF;
	s21 =	sshll.u32 s6, $0x1;
	s3 =	sadd.s32 s4, s19  }
0x9c: {  	s7 =	simm.s32 $0x0;
	s20 =	sshll.u32 s5, $0x1;
	s5 =	sadd.s32 s21, s3  }
0x9d: {  	[timem:s7], [sflag:s22] =	dma.local [hbm:s5], s20  }
0x9e: {  	_ =	swait.ge [sflag:s22], s20  }
0x9f: {  	s4 =	ssub.s32 $0x0, s20;
	[sflag:s22] =	ssyncset.done $0x0  }
0xa0: {  	[sflag:s22] =	ssyncadd.s32 s4;
	_ =	sdelay $0x1  }
0xa1: {  	s23 =	simm.s32 $0x1B8B  }
0xa2: {  	_ =	swait.ge [sflag:s23], $0x1  }
0xa3: {  	[sflag:s23] =	ssyncset.done $0x0  }
0xa4: {  	s25 =	simm.s32 $0x1B8E;
	s24 =	sld [smem:$0x3FFE];
	[sflag:s23] =	ssyncadd.s32 $0xFFFFFFFF  }
0xa5: {  	s26 =	simm.s32 $execute0_lowered;
	[smem:$0x3FD2] =	sst s25  }
0xa6: {  	s5 =	sshll.u32 s26, $0x1;
	_ =	strace $0x80000046;
	[dreg:$0x1] =	wrdreg $0xFFFFFFFF  }
0xa7: {  	s28 =	simm.s32 $_size_execute0_lowered;
	s3 =	sadd.s32 s3, s5;
	[dreg:$0x0] =	wrdreg $0x0  }
0xa8: {  	s5 =	sshll.u32 s28, $0x1;
	[dreg:$0x2] =	wrdreg s3  }
0xa9: {  	[dreg:$0x3] =	wrdreg s5  }
0xaa: {  	[dreg:$0x4] =	wrdreg $0xC0  }
0xab: {  	_ =	task [dreg:s7], $0x5FFFF  }
0xac: {  	[dreg:$0x1] =	wrdreg $0xFFFFFFFF  }
0xad: {  	[dreg:$0x0] =	wrdreg $0x60  }
0xae: {  	[dreg:$0x2] =	wrdreg s2  }
0xaf: {  	[dreg:$0x3] =	wrdreg s24  }
0xb0: {  	[dreg:$0x4] =	wrdreg $0x9  }
0xb1: {  	_ =	task.clear_ibuf [dreg:s7], $0x5FFFF;
	_ =	strace $0x90000046  }
0xb2: {  	s29 =	simm.s32 $0x9;
	_ =	strace $0x80000048  }
0xb3: {  	_ =	swait.ge [sflag:s29], $0x1  }
0xb4: {  	[sflag:s29] =	ssyncadd.s32 $0xFFFFFFFF  }
0xb5: {  	_ =	strace $0x90000048  }
0xb6: {  	_ =	sfence  }
0xb7: {  	s30 =	sld [smem:$0x0];
	_ =	sdelay $0x2  }
0xb8: {  	s31 =	sshll.u32 s1, $0xD;
	s1 =	sshrl.u32 s1, $0x2  }
0xb9: {  	s3 =	sand.u32 $0x4000, s31;
	s1 =	sadd.s32 s1, s30  }
0xba: {  	s0 =	sor.u32 s3, s0;
	s1 =	sshll.u32 s1, $0x11  }
0xbb: {  	s0 =	sor.u32 s1, s0  }
0xbc: {  	s0 =	sadd.s32 $0x8F2B, s0  }
0xbd: {  	[sflag:s0] =	ssyncadd.remote.s32 $0x1  }
0xbe: {  	_ =	sfence.sel $0xFFFF  }
0xbf: {  	[dreg:$0x0] =	wrdreg $0xFFFFFFFF;
	(pc) =	sbr.abs _section_cstart, $3  }
0xc0: {  	[dreg:$0x1] =	wrdreg $0xFFFFFFFF  }
0xc1: {  	_ =	task.clear_ibuf [dreg:s7], $0x2FFFF;
	_ =	strace $0x9FFFFFFF  }
0xc2: {  	(tm) =	ssettm $0x7FFFFFFF  }
0xc3: {  	_ =	shalt  }
tec
execute0_lowered:
.L_overlay_start_1:
0x0: {  	(tag) =	ssettag $0x1  }
0x1: {  	s1 =	srdreg.scid;
	s3 =	rddreg [dreg:$0x0]  }
0x2: {  	s0 =	stileid.u32;
	s5 =	rddreg [dreg:$0x1]  }
0x3: {  	s2 =	simm.s32 $0x0;
	s15 =	simm.s32 $0x2;
	s16 =	simm.s32 $0x2710  }
0x4: {  	s17 =	simm.s32 $0x2AF8;
	s18 =	simm.s32 $0x2EE0;
	s19 =	simm.s32 $0x32C8  }
0x5: {  	s20 =	simm.s32 $0x36B0;
	s21 =	simm.s32 $0x3A98;
	s22 =	simm.s32 $0x3E80  }
0x6: {  	s23 =	simm.s32 $0x4268;
	s4 =	sand.u32 $0x1, s1;
	s31 =	sshll.u32 s0, $0x1  }
0x7: {  	s24 =	simm.s32 $0x4650;
	s25 =	simm.s32 $0x4A38;
	s6 =	sor.u32 s4, s31  }
0x8: {  	s26 =	simm.s32 $0x1;
	s1 =	rddreg [dreg:$0x2];
	s7 =	smul.u32 $0x3E8, s6  }
0x9: {  	s28 =	simm.s32 $0x0;
	[smem:$0x7FF] =	sst s2;
	s4 =	ssub.s32 $0x2, s4  }
0xa: {  	s6 =	smul.u32 $0x4E2, s6;
	s8 =	sshrl.u32 s4, $0x1;
	s7 =	sshrl.u32 s7, $0x3  }
0xb: {  	_ =	strace $0x80000047;
	s14 =	ssub.s32 s4, s8;
	s13 =	sadd.s32 s7, s5  }
0xc: {  	s3 =	sadd.s32 s3, s6;
	s14 =	smax.u32 s14, $0x1;
	s4 =	sadd.s32 $0x2800, s13  }
0xd: {  	s5 =	sadd.s32 $0x37A0, s13;
	s6 =	sadd.s32 $0x4740, s13;
	s7 =	sadd.s32 $0x56E0, s13  }
0xe: {  	s8 =	sadd.s32 $0x6680, s13;
	s9 =	sadd.s32 $0x7620, s13;
	s10 =	sadd.s32 $0x85C0, s13  }
0xf: {  	v0 =	vimm.f32 $0.0e+00;
	v1 =	vimm.f32 $1.000000000e+00;
	s11 =	sadd.s32 $0x9560, s13;
	s12 =	sadd.s32 $0xA500, s13;
	s13 =	sadd.s32 $0xB4A0, s13  }
.LBB2_1:
0x10: {  	[tilespmem:s2], [sflag:$0x2] =	stream.linear.gather [hbm4b:s3+s2], $0x2710, $0x38;
	[tilespmem:$0x4E20] =	vst v63  }
0x11: {  	_ =	swait.ge [sflag:s15], $0x2710  }
0x12: {  	[sflag:s15] =	ssyncset.done $0x0  }
0x13: {  	s29 =	simm.s32 $0x0;
	[sflag:s15] =	ssyncadd.s32 $0xFFFFD8F0  }
.LBB2_2:
0x14: {  	p0 =	sne.s32 s29, $0x9C00  }
.Ltmp0:
0x15: {  	_ = 	snop;
	(pc) =	sbr.rel @p0 .LBB2_2-.Ltmp0, $3  }
0x16: {  	_ =	sdelay $0x1  }
0x17: {  	s30 =	sshra.s32 s29, $0x2  }
0x18: {  	s29 =	sadd.s32 $0x40, s29;
	[tilespmem:s30+$0x2710] =	vst v0  }
0x19: {  	s30 =	simm.s32 $0x0;
	s29 =	simm.s32 $0x40  }
.LBB2_4:
0x1a: {  	p0 =	sne.s32 s29, $0x9C00;
	v2 =	vld [tilespmem:s30+$0x0];
	_ =	sdelay $0x3  }
.Ltmp1:
0x1b: {  	(pc) =	sbr.rel @p0 .LBB2_4-.Ltmp1, $2  }
0x1c: {  	_ =	sdelay $0x2  }
0x1d: {  	s30 =	sshra.s32 s29, $0x2;
	s29 =	sadd.s32 $0x40, s29;
	[tilespmem:v2+s16+$0x0] =	vst.idx.add.f32.msk $0xffff, v1  }
0x1e: {  	v2 =	vld [tilespmem:s30+$0x0];
	_ =	sdelay $0x7  }
0x1f: {  	[tilespmem:v2+s16+$0x0] =	vst.idx.add.f32.msk $0xffff, v1  }
0x20: {  	[hbm4b:s4+s2] =	stream.linear.scatter [tilespmem:s16], [sflag:$0x1], $0x3E8, $0x38;
	[tilespmem:$0x4E20] =	vst v63  }
0x21: {  	_ = 	snop  }
0x22: {  	[hbm4b:s5+s2] =	stream.linear.scatter [tilespmem:s17], [sflag:$0x1], $0x3E8, $0x38;
	[tilespmem:$0x4E20] =	vst v63  }
0x23: {  	_ = 	snop  }
0x24: {  	[hbm4b:s6+s2] =	stream.linear.scatter [tilespmem:s18], [sflag:$0x1], $0x3E8, $0x38;
	[tilespmem:$0x4E20] =	vst v63  }
0x25: {  	_ = 	snop  }
0x26: {  	[hbm4b:s7+s2] =	stream.linear.scatter [tilespmem:s19], [sflag:$0x1], $0x3E8, $0x38;
	[tilespmem:$0x4E20] =	vst v63  }
0x27: {  	_ = 	snop  }
0x28: {  	[hbm4b:s8+s2] =	stream.linear.scatter [tilespmem:s20], [sflag:$0x1], $0x3E8, $0x38;
	[tilespmem:$0x4E20] =	vst v63  }
0x29: {  	_ = 	snop  }
0x2a: {  	[hbm4b:s9+s2] =	stream.linear.scatter [tilespmem:s21], [sflag:$0x1], $0x3E8, $0x38;
	[tilespmem:$0x4E20] =	vst v63  }
0x2b: {  	_ = 	snop  }
0x2c: {  	[hbm4b:s10+s2] =	stream.linear.scatter [tilespmem:s22], [sflag:$0x1], $0x3E8, $0x38;
	[tilespmem:$0x4E20] =	vst v63  }
0x2d: {  	_ = 	snop  }
0x2e: {  	[hbm4b:s11+s2] =	stream.linear.scatter [tilespmem:s23], [sflag:$0x1], $0x3E8, $0x38;
	[tilespmem:$0x4E20] =	vst v63  }
0x2f: {  	_ = 	snop  }
0x30: {  	[hbm4b:s12+s2] =	stream.linear.scatter [tilespmem:s24], [sflag:$0x1], $0x3E8, $0x38;
	[tilespmem:$0x4E20] =	vst v63  }
0x31: {  	_ = 	snop  }
0x32: {  	[hbm4b:s13+s2] =	stream.linear.scatter [tilespmem:s25], [sflag:$0x1], $0x3E8, $0x38;
	[tilespmem:$0x4E20] =	vst v63  }
0x33: {  	_ =	swait.ge [sflag:s26], $0x3E8  }
0x34: {  	[sflag:s26] =	ssyncset.done $0x0  }
0x35: {  	[sflag:s26] =	ssyncadd.s32 $0xFFFFFC18  }
0x36: {  	_ =	swait.ge [sflag:s26], $0x3E8  }
0x37: {  	[sflag:s26] =	ssyncset.done $0x0  }
0x38: {  	[sflag:s26] =	ssyncadd.s32 $0xFFFFFC18  }
0x39: {  	_ =	swait.ge [sflag:s26], $0x3E8  }
0x3a: {  	[sflag:s26] =	ssyncset.done $0x0  }
0x3b: {  	[sflag:s26] =	ssyncadd.s32 $0xFFFFFC18  }
0x3c: {  	_ =	swait.ge [sflag:s26], $0x3E8  }
0x3d: {  	[sflag:s26] =	ssyncset.done $0x0  }
0x3e: {  	[sflag:s26] =	ssyncadd.s32 $0xFFFFFC18  }
0x3f: {  	_ =	swait.ge [sflag:s26], $0x3E8  }
0x40: {  	[sflag:s26] =	ssyncset.done $0x0  }
0x41: {  	[sflag:s26] =	ssyncadd.s32 $0xFFFFFC18  }
0x42: {  	_ =	swait.ge [sflag:s26], $0x3E8  }
0x43: {  	[sflag:s26] =	ssyncset.done $0x0  }
0x44: {  	[sflag:s26] =	ssyncadd.s32 $0xFFFFFC18  }
0x45: {  	_ =	swait.ge [sflag:s26], $0x3E8  }
0x46: {  	[sflag:s26] =	ssyncset.done $0x0  }
0x47: {  	[sflag:s26] =	ssyncadd.s32 $0xFFFFFC18  }
0x48: {  	_ =	swait.ge [sflag:s26], $0x3E8  }
0x49: {  	[sflag:s26] =	ssyncset.done $0x0  }
0x4a: {  	s28 =	sadd.s32 $0x1, s28;
	[sflag:s26] =	ssyncadd.s32 $0xFFFFFC18  }
0x4b: {  	p0 =	sne.s32 s28, s14;
	_ =	swait.ge [sflag:s26], $0x3E8  }
.Ltmp2:
0x4c: {  	[sflag:s26] =	ssyncset.done $0x0;
	(pc) =	sbr.rel @p0 .LBB2_1-.Ltmp2, $4  }
0x4d: {  	[sflag:s26] =	ssyncadd.s32 $0xFFFFFC18  }
0x4e: {  	_ =	swait.ge [sflag:s26], $0x3E8  }
0x4f: {  	[sflag:s26] =	ssyncset.done $0x0  }
0x50: {  	[sflag:s26] =	ssyncadd.s32 $0xFFFFFC18  }
0x51: {  	_ =	sfence.sel $0x180000  }
0x52: {  	[bflag:$0x0] =	sbarrier.arrive $0xFFFF  }
0x53: {  	p0 =	sne.s32 s0, $0x0;
	_ =	strace $0x90000047  }
0x54: {  	s0 =	sadd.s32 @!p0 $0x100000, s1;
	[bflag:$0x2] =	sbarrier.arrive $0xFFFF  }
0x55: {  	[sflag:s0] =	ssyncadd.tile.s32 @!p0 $0x1;
	_ =	shalt  }
.Lfunc_end2:
_tile_overlayer_lowered:
.L_overlay_start_2:
0x56: {  	(tag) =	ssettag $0x2  }
0x57: {  	s0 =	rddreg [dreg:$0x0];
	s2 =	stileid.u32  }
0x58: {  	s1 =	rddreg [dreg:$0x1];
	p0 =	sne.s32 s2, $0x0  }
0x59: {  	s3 =	rddreg [dreg:$0x2];
	[bflag:$0x3] =	sbarrier.arrive $0xFFFF;
	s2 =	simm.s32 @!p0 $0x1C02  }
0x5a: {  	[timem:s3], [sflag:s2] =	dma.local @!p0 [hbm:s0], s1  }
0x5b: {  	s0 =	simm.s32 @!p0 $0x2  }
0x5c: {  	_ =	swait.ge @!p0 [sflag:s0], s1  }
0x5d: {  	s1 =	ssub.s32 @!p0 $0x0, s1;
	[sflag:s0] =	ssyncset.done @!p0 $0x0  }
0x5e: {  	[sflag:s0] =	ssyncadd.s32 @!p0 s1  }
0x5f: {  	[bflag:$0x3] =	sbarrier.arrive $0xFFFF  }
0x60: {  	_ =	shalt  }

</sc_bundles>
